<compile_context>
chip_gen: v7x
topology: tpu7x:2x2x1
jax: 0.10.2.dev20260603
libtpu: 0.0.44.dev20260713+nightly
codegen_flags: <defaults>
</compile_context>

<pallas_src>
import functools

import jax
import jax.numpy as jnp
from jax import lax
from jax.experimental import pallas as pl
from jax.experimental.pallas import tpu as pltpu
from jax.experimental.pallas import tpu_sc as plsc

V = 100000
E = 1024
H = 1024
B = 128

_SUB = 2048
_NFULL = V // _SUB
_TAIL = V - _NFULL * _SUB
_SPB = 4
_BV = _SPB * _SUB
_NV = V // _BV + 1
_NBUF = 4
_CHUNK = 512

_NC = 2
_GW = 16
_RPW = B // _GW

_nt_dims = (((1,), (1,)), ((), ()))


def _sc_gather(ids, emb):
    mesh = plsc.VectorSubcoreMesh(core_axis_name="c", subcore_axis_name="s")

    @functools.partial(
        pl.kernel,
        mesh=mesh,
        out_type=jax.ShapeDtypeStruct((B, E), jnp.float32),
        scratch_types=[
            pltpu.VMEM((_RPW,), jnp.int32),
            pltpu.VMEM((_RPW, E), jnp.float32),
            pltpu.SemaphoreType.DMA,
        ],
    )
    def gather_kernel(ids_hbm, emb_hbm, x_hbm, idx_v, rows_v, sem):
        wid = lax.axis_index("s") * _NC + lax.axis_index("c")

        @pl.when(wid < _GW)
        def _():
            base = wid * _RPW
            pltpu.sync_copy(ids_hbm.at[pl.ds(base, _RPW)], idx_v)
            pltpu.async_copy(emb_hbm.at[idx_v], rows_v, sem).wait()
            pltpu.sync_copy(rows_v, x_hbm.at[pl.ds(base, _RPW)])

    return gather_kernel(ids, emb)


def _lstm_body(x_ref, h_ref, c_ref, wih_ref, whh_ref, bih_ref, bhh_ref,
               hout_ref, cout_ref):
    gates = (
        lax.dot_general(x_ref[...], wih_ref[...], _nt_dims,
                        preferred_element_type=jnp.float32)
        + lax.dot_general(h_ref[...], whh_ref[...], _nt_dims,
                          preferred_element_type=jnp.float32)
        + bih_ref[...] + bhh_ref[...]
    )
    i_g = jax.nn.sigmoid(gates[:, 0:H])
    f_g = jax.nn.sigmoid(gates[:, H:2 * H])
    g_g = jnp.tanh(gates[:, 2 * H:3 * H])
    o_g = jax.nn.sigmoid(gates[:, 3 * H:4 * H])
    c_new = f_g * c_ref[...] + i_g * g_g
    cout_ref[...] = c_new
    hout_ref[...] = o_g * jnp.tanh(c_new)


def _lstm(x, h, c, W_ih, W_hh, b_ih2, b_hh2):
    return pl.pallas_call(
        _lstm_body,
        out_shape=[
            jax.ShapeDtypeStruct((B, H), jnp.float32),
            jax.ShapeDtypeStruct((B, H), jnp.float32),
        ],
    )(x, h, c, W_ih, W_hh, b_ih2, b_hh2)


def _fc_body(h_ref, fcb_ref, fcw_hbm, predt_hbm, bufs, otiles, isems, osems):

    def fire_rows(g, rows):
        slot = lax.rem(g, _NBUF)
        for off in range(0, rows, _CHUNK):
            n = min(_CHUNK, rows - off)
            pltpu.make_async_copy(
                fcw_hbm.at[pl.ds(g * _SUB + off, n)],
                bufs.at[slot, pl.ds(off, n)],
                isems.at[slot]).start()

    def fire_sub(g):
        @pl.when(g < _NFULL)
        def _():
            fire_rows(g, _SUB)

        @pl.when(g == _NFULL)
        def _():
            fire_rows(g, _TAIL)

    def wait_sub(g, rows):
        slot = lax.rem(g, _NBUF)
        pltpu.make_async_copy(
            fcw_hbm.at[pl.ds(g * _SUB, rows)],
            bufs.at[slot, pl.ds(0, rows)],
            isems.at[slot]).wait()

    def out_desc(g, rows):
        oslot = lax.rem(g, _NBUF)
        return pltpu.make_async_copy(
            otiles.at[oslot, pl.ds(0, rows)],
            predt_hbm.at[pl.ds(g * _SUB, rows)],
            osems.at[oslot])

    for k in range(_NBUF - 1):
        fire_sub(jnp.int32(k))

    def step(g, carry):
        fire_sub(g + _NBUF - 1)
        slot = lax.rem(g, _NBUF)
        wait_sub(g, _SUB)
        tile = (
            lax.dot_general(bufs[slot], h_ref[...], _nt_dims,
                            preferred_element_type=jnp.float32)
            + fcb_ref[g].reshape(_SUB, 1)
        )

        @pl.when(g >= _NBUF)
        def _():
            out_desc(g - _NBUF, _SUB).wait()

        otiles[slot] = tile
        out_desc(g, _SUB).start()
        return carry

    lax.fori_loop(0, _NFULL, step, 0, unroll=4)

    wait_sub(jnp.int32(_NFULL), _TAIL)
    ttile = (
        lax.dot_general(bufs[_NFULL % _NBUF, 0:_TAIL], h_ref[...],
                        _nt_dims, preferred_element_type=jnp.float32)
        + fcb_ref[_NFULL, 0:_TAIL].reshape(_TAIL, 1)
    )
    tslot = _NFULL % _NBUF
    out_desc(jnp.int32(_NFULL - _NBUF), _SUB).wait()
    otiles[tslot, 0:_TAIL] = ttile
    out_desc(jnp.int32(_NFULL), _TAIL).start()

    for g in range(_NFULL - _NBUF + 1, _NFULL):
        out_desc(jnp.int32(g), _SUB).wait()
    out_desc(jnp.int32(_NFULL), _TAIL).wait()


def _fc(h_new, fc_W, fcb3):
    return pl.pallas_call(
        _fc_body,
        in_specs=[
            pl.BlockSpec(memory_space=pltpu.MemorySpace.VMEM),
            pl.BlockSpec(memory_space=pltpu.MemorySpace.VMEM),
            pl.BlockSpec(memory_space=pltpu.MemorySpace.HBM),
        ],
        out_specs=pl.BlockSpec(memory_space=pltpu.MemorySpace.HBM),
        out_shape=jax.ShapeDtypeStruct((V, B), jnp.float32),
        scratch_shapes=[
            pltpu.VMEM((_NBUF, _SUB, H), jnp.float32),
            pltpu.VMEM((_NBUF, _SUB, B), jnp.float32),
            pltpu.SemaphoreType.DMA((_NBUF,)),
            pltpu.SemaphoreType.DMA((_NBUF,)),
        ],
        compiler_params=pltpu.CompilerParams(
            vmem_limit_bytes=60 * 1024 * 1024),
    )(h_new, fcb3, fc_W)


def kernel(input, h0, c0, emb, W_ih, W_hh, b_ih, b_hh, fc_W, fc_b):
    ids = input.astype(jnp.int32)
    x = _sc_gather(ids, emb)
    h_new, c_new = _lstm(x, h0[0], c0[0], W_ih, W_hh,
                         b_ih.reshape(1, 4 * H), b_hh.reshape(1, 4 * H))
    fcb3 = jnp.pad(fc_b, (0, (_NFULL + 1) * _SUB - V)).reshape(
        _NFULL + 1, _SUB)
    pred_t = _fc(h_new, fc_W, fcb3)
    return (pred_t.T, h_new[None, :, :], c_new[None, :, :])

# --- scband reference (transcript-rebuilt; emitter-appended) ---
"""Pipeline reference for scband-pari-grudecoder-4604204941745 (READ-ONLY COPY).

The authoritative reference and input builder live on the scoring server;
editing this copy changes nothing except your own understanding.
"""

import jax, jax.numpy as jnp
import numpy as np

V = 100000
E = 1024
H = 1024
B = 128


def setup_inputs(seed: int = 0) -> dict:
    key = jax.random.key(seed)
    ks = jax.random.split(key, 10)
    s = 1.0 / np.sqrt(H)
    se = 1.0 / np.sqrt(E)
    return {
        "input": jax.random.randint(ks[0], (B,), 0, V),
        "h0": jax.random.normal(ks[1], (1, B, H), dtype=jnp.float32),
        "c0": jax.random.normal(ks[2], (1, B, H), dtype=jnp.float32),
        "emb": jax.random.normal(ks[3], (V, E), dtype=jnp.float32),
        "W_ih": jax.random.uniform(ks[4], (4 * H, E), minval=-se, maxval=se, dtype=jnp.float32),
        "W_hh": jax.random.uniform(ks[5], (4 * H, H), minval=-s, maxval=s, dtype=jnp.float32),
        "b_ih": jax.random.uniform(ks[6], (4 * H,), minval=-s, maxval=s, dtype=jnp.float32),
        "b_hh": jax.random.uniform(ks[7], (4 * H,), minval=-s, maxval=s, dtype=jnp.float32),
        "fc_W": jax.random.uniform(ks[8], (V, H), minval=-s, maxval=s, dtype=jnp.float32),
        "fc_b": jax.random.uniform(ks[9], (V,), minval=-s, maxval=s, dtype=jnp.float32),
    }


def reference(input, h0, c0, emb, W_ih, W_hh, b_ih, b_hh, fc_W, fc_b):
    # input: int64[B] token ids; unsqueeze(0) -> seq_len=1 step of LSTM decoder
    x = jnp.take(emb, input, axis=0)  # embedding gather -> [B, E]
    h = h0[0]  # [B, H]
    c = c0[0]  # [B, H]
    # One LSTM step, PyTorch gate order: i, f, g, o
    gates = x @ W_ih.T + b_ih + h @ W_hh.T + b_hh  # [B, 4H]
    i, f, g, o = jnp.split(gates, 4, axis=-1)
    i = jax.nn.sigmoid(i)
    f = jax.nn.sigmoid(f)
    g = jnp.tanh(g)
    o = jax.nn.sigmoid(o)
    c_new = f * c + i * g
    h_new = o * jnp.tanh(c_new)
    # output.squeeze(0) == h_new since seq_len == 1
    prediction = h_new @ fc_W.T + fc_b  # [B, V]
    return (prediction, h_new[None, :, :], c_new[None, :, :])

if __name__ == "__main__":
    import jax
    _d = setup_inputs()
    print(jax.jit(kernel)(*tuple(_d.values())))

</pallas_src>

<mosaic_0001>
#map = affine_map<(d0, d1) -> (0)>
#map1 = affine_map<(d0, d1) -> (0, 0)>
module attributes {stable_mosaic.version = 14 : i64} {
  func.func @gather_kernel(%arg0: i32, %arg1: i32, %arg2: memref<128xi32, #tpu.memory_space<hbm>>, %arg3: memref<100000x1024xf32, #tpu.memory_space<hbm>>, %arg4: memref<128x1024xf32, #tpu.memory_space<hbm>>, %arg5: memref<8xi32, #tpu.memory_space<vmem>>, %arg6: memref<8x1024xf32, #tpu.memory_space<vmem>>, %arg7: memref<!tpu.dma_semaphore, #tpu.memory_space<semaphore_mem>>) attributes {dimension_semantics = [#tpu.dimension_semantics<core_parallel>, #tpu.dimension_semantics<subcore_parallel>], iteration_bounds = array<i64: 2, 16>, scalar_prefetch = 0 : i64, scratch_operands = 3 : i64, tpu.core_type = #tpu.core_type<sc_vector_subcore>, window_params = [{transform_indices = #map}, {transform_indices = #map1}, {transform_indices = #map1}]} {
    %mul3A = arith.constant 2 : i32
    %mul3A_0 = arith.muli %arg1, %mul3A : i32
    %add3A = arith.addi %mul3A_0, %arg0 : i32
    %lt3A = arith.constant 16 : i32
    %lt3A_1 = arith.cmpi slt, %add3A, %lt3A : i32
    %convert_element_type3A = arith.extui %lt3A_1 : i1 to i32
    %cond3A = arith.constant 0 : i32
    %cond3A_2 = arith.cmpi ne, %convert_element_type3A, %cond3A : i32
    scf.if %cond3A_2 {
      %mul3A_3 = arith.constant 8 : i32
      %mul3A_4 = arith.muli %add3A, %mul3A_3 : i32
      "tpu.region"() ({
        %run_scoped3A = tpu.sem_alloc : memref<!tpu.dma_semaphore, #tpu.memory_space<semaphore_mem>>
        %dma_start3A_9 = tpu.memref_slice %arg2[%mul3A_4] : memref<128xi32, #tpu.memory_space<hbm>> -> memref<8xi32, #tpu.memory_space<hbm>>
        %dma_start3A_10 = tpu.memref_slice %arg2[%mul3A_4] : memref<128xi32, #tpu.memory_space<hbm>> -> memref<8xi32, #tpu.memory_space<hbm>>
        tpu.enqueue_dma source(%dma_start3A_10 : memref<8xi32, #tpu.memory_space<hbm>>) target(%arg5 : memref<8xi32, #tpu.memory_space<vmem>>) target_semaphore(%run_scoped3A : memref<!tpu.dma_semaphore, #tpu.memory_space<semaphore_mem>>)
        %dma_wait3A_11 = tpu.memref_slice %arg2[%mul3A_4] : memref<128xi32, #tpu.memory_space<hbm>> -> memref<8xi32, #tpu.memory_space<hbm>>
        %dma_wait3A_12 = tpu.memref_slice %arg2[%mul3A_4] : memref<128xi32, #tpu.memory_space<hbm>> -> memref<8xi32, #tpu.memory_space<hbm>>
        tpu.wait_dma2 semaphore(%run_scoped3A : memref<!tpu.dma_semaphore, #tpu.memory_space<semaphore_mem>>) src(%dma_wait3A_12 : memref<8xi32, #tpu.memory_space<hbm>>) dst(%arg5 : memref<8xi32, #tpu.memory_space<vmem>>)
        tpu.yield
      }) : () -> ()
      %dma_start3A = arith.constant 0 : i32
      %dma_start3A_5 = arith.constant 0 : i32
      %dma_start3A_6 = tpu.memref_slice %arg3[%dma_start3A, %dma_start3A_5] : memref<100000x1024xf32, #tpu.memory_space<hbm>> -> memref<100000x1024xf32, #tpu.memory_space<hbm>>
      tpu.enqueue_indirect_dma source(%dma_start3A_6 : memref<100000x1024xf32, #tpu.memory_space<hbm>>) target(%arg6 : memref<8x1024xf32, #tpu.memory_space<vmem>>) offsets(%arg5 : memref<8xi32, #tpu.memory_space<vmem>>) semaphore(%arg7 : memref<!tpu.dma_semaphore, #tpu.memory_space<semaphore_mem>>)
      %dma_wait3A = arith.constant 0 : i32
      %dma_wait3A_7 = arith.constant 0 : i32
      %dma_wait3A_8 = tpu.memref_slice %arg3[%dma_wait3A, %dma_wait3A_7] : memref<100000x1024xf32, #tpu.memory_space<hbm>> -> memref<100000x1024xf32, #tpu.memory_space<hbm>>
      tpu.wait_indirect_dma semaphore(%arg7 : memref<!tpu.dma_semaphore, #tpu.memory_space<semaphore_mem>>) src(%dma_wait3A_8 : memref<100000x1024xf32, #tpu.memory_space<hbm>>) dst(%arg6 : memref<8x1024xf32, #tpu.memory_space<vmem>>)
      "tpu.region"() ({
        %run_scoped3A = tpu.sem_alloc : memref<!tpu.dma_semaphore, #tpu.memory_space<semaphore_mem>>
        %dma_start3A_9 = arith.constant 0 : i32
        %dma_start3A_10 = tpu.memref_slice %arg4[%mul3A_4, %dma_start3A_9] : memref<128x1024xf32, #tpu.memory_space<hbm>> -> memref<8x1024xf32, #tpu.memory_space<hbm>>
        %dma_start3A_11 = arith.constant 0 : i32
        %dma_start3A_12 = tpu.memref_slice %arg4[%mul3A_4, %dma_start3A_11] : memref<128x1024xf32, #tpu.memory_space<hbm>> -> memref<8x1024xf32, #tpu.memory_space<hbm>>
        tpu.enqueue_dma source(%arg6 : memref<8x1024xf32, #tpu.memory_space<vmem>>) target(%dma_start3A_12 : memref<8x1024xf32, #tpu.memory_space<hbm>>) target_semaphore(%run_scoped3A : memref<!tpu.dma_semaphore, #tpu.memory_space<semaphore_mem>>)
        %dma_wait3A_13 = arith.constant 0 : i32
        %dma_wait3A_14 = tpu.memref_slice %arg4[%mul3A_4, %dma_wait3A_13] : memref<128x1024xf32, #tpu.memory_space<hbm>> -> memref<8x1024xf32, #tpu.memory_space<hbm>>
        %dma_wait3A_15 = arith.constant 0 : i32
        %dma_wait3A_16 = tpu.memref_slice %arg4[%mul3A_4, %dma_wait3A_15] : memref<128x1024xf32, #tpu.memory_space<hbm>> -> memref<8x1024xf32, #tpu.memory_space<hbm>>
        tpu.wait_dma2 semaphore(%run_scoped3A : memref<!tpu.dma_semaphore, #tpu.memory_space<semaphore_mem>>) src(%arg6 : memref<8x1024xf32, #tpu.memory_space<vmem>>) dst(%dma_wait3A_16 : memref<8x1024xf32, #tpu.memory_space<hbm>>)
        tpu.yield
      }) : () -> ()
    } else {
    }
    return
  }
}

module attributes {stable_mosaic.version = 14 : i64} {
  func.func @_lstm_body(%arg0: memref<128x1024xf32, #tpu.memory_space<vmem>>, %arg1: memref<128x1024xf32, #tpu.memory_space<vmem>>, %arg2: memref<128x1024xf32, #tpu.memory_space<vmem>>, %arg3: memref<4096x1024xf32, #tpu.memory_space<vmem>>, %arg4: memref<4096x1024xf32, #tpu.memory_space<vmem>>, %arg5: memref<1x4096xf32, #tpu.memory_space<vmem>>, %arg6: memref<1x4096xf32, #tpu.memory_space<vmem>>, %arg7: memref<128x1024xf32, #tpu.memory_space<vmem>>, %arg8: memref<128x1024xf32, #tpu.memory_space<vmem>>) attributes {dimension_semantics = [], scalar_prefetch = 0 : i64, scratch_operands = 0 : i64, tpu.core_type = #tpu.core_type<tc>} {
    %get3A = arith.constant 0 : index
    %get3A_0 = arith.constant 0 : index
    %get3A_1 = vector.load %arg0[%get3A, %get3A_0] : memref<128x1024xf32, #tpu.memory_space<vmem>>, vector<128x1024xf32>
    %get3A_2 = arith.constant 0 : index
    %get3A_3 = arith.constant 0 : index
    %get3A_4 = vector.load %arg3[%get3A_2, %get3A_3] : memref<4096x1024xf32, #tpu.memory_space<vmem>>, vector<4096x1024xf32>
    %dot_general3A = arith.constant dense<0.000000e+00> : vector<128x4096xf32>
    %dot_general3A_5 = tpu.matmul %get3A_1, %get3A_4, %dot_general3A {dimension_numbers = #tpu.dot_dimension_numbers<[1], [1], [0], [0], [0, 0, 1, 0], [], []>, transpose_lhs_hint = false} : vector<128x1024xf32>, vector<4096x1024xf32>, vector<128x4096xf32> -> vector<128x4096xf32>
    %get3A_6 = arith.constant 0 : index
    %get3A_7 = arith.constant 0 : index
    %get3A_8 = vector.load %arg1[%get3A_6, %get3A_7] : memref<128x1024xf32, #tpu.memory_space<vmem>>, vector<128x1024xf32>
    %get3A_9 = arith.constant 0 : index
    %get3A_10 = arith.constant 0 : index
    %get3A_11 = vector.load %arg4[%get3A_9, %get3A_10] : memref<4096x1024xf32, #tpu.memory_space<vmem>>, vector<4096x1024xf32>
    %dot_general3A_12 = arith.constant dense<0.000000e+00> : vector<128x4096xf32>
    %dot_general3A_13 = tpu.matmul %get3A_8, %get3A_11, %dot_general3A_12 {dimension_numbers = #tpu.dot_dimension_numbers<[1], [1], [0], [0], [0, 0, 1, 0], [], []>, transpose_lhs_hint = false} : vector<128x1024xf32>, vector<4096x1024xf32>, vector<128x4096xf32> -> vector<128x4096xf32>
    %add3A = arith.addf %dot_general3A_5, %dot_general3A_13 : vector<128x4096xf32>
    %get3A_14 = arith.constant 0 : index
    %get3A_15 = arith.constant 0 : index
    %get3A_16 = vector.load %arg5[%get3A_14, %get3A_15] : memref<1x4096xf32, #tpu.memory_space<vmem>>, vector<1x4096xf32>
    %add3A_17 = vector.broadcast %get3A_16 : vector<1x4096xf32> to vector<128x4096xf32>
    %add3A_18 = arith.addf %add3A, %add3A_17 : vector<128x4096xf32>
    %get3A_19 = arith.constant 0 : index
    %get3A_20 = arith.constant 0 : index
    %get3A_21 = vector.load %arg6[%get3A_19, %get3A_20] : memref<1x4096xf32, #tpu.memory_space<vmem>>, vector<1x4096xf32>
    %add3A_22 = vector.broadcast %get3A_21 : vector<1x4096xf32> to vector<128x4096xf32>
    %add3A_23 = arith.addf %add3A_18, %add3A_22 : vector<128x4096xf32>
    %slice3A = vector.extract_strided_slice %add3A_23 {offsets = [0, 0], sizes = [128, 1024], strides = [1, 1]} : vector<128x4096xf32> to vector<128x1024xf32>
    %logistic3A = arith.negf %slice3A : vector<128x1024xf32>
    %logistic3A_24 = math.exp %logistic3A : vector<128x1024xf32>
    %logistic3A_25 = arith.constant 1.000000e+00 : f32
    %logistic3A_26 = vector.broadcast %logistic3A_25 : f32 to vector<128x1024xf32>
    %logistic3A_27 = arith.addf %logistic3A_26, %logistic3A_24 : vector<128x1024xf32>
    %logistic3A_28 = arith.divf %logistic3A_26, %logistic3A_27 : vector<128x1024xf32>
    %slice3A_29 = vector.extract_strided_slice %add3A_23 {offsets = [0, 1024], sizes = [128, 1024], strides = [1, 1]} : vector<128x4096xf32> to vector<128x1024xf32>
    %logistic3A_30 = arith.negf %slice3A_29 : vector<128x1024xf32>
    %logistic3A_31 = math.exp %logistic3A_30 : vector<128x1024xf32>
    %logistic3A_32 = arith.constant 1.000000e+00 : f32
    %logistic3A_33 = vector.broadcast %logistic3A_32 : f32 to vector<128x1024xf32>
    %logistic3A_34 = arith.addf %logistic3A_33, %logistic3A_31 : vector<128x1024xf32>
    %logistic3A_35 = arith.divf %logistic3A_33, %logistic3A_34 : vector<128x1024xf32>
    %slice3A_36 = vector.extract_strided_slice %add3A_23 {offsets = [0, 2048], sizes = [128, 1024], strides = [1, 1]} : vector<128x4096xf32> to vector<128x1024xf32>
    %tanh3A = math.tanh %slice3A_36 : vector<128x1024xf32>
    %slice3A_37 = vector.extract_strided_slice %add3A_23 {offsets = [0, 3072], sizes = [128, 1024], strides = [1, 1]} : vector<128x4096xf32> to vector<128x1024xf32>
    %logistic3A_38 = arith.negf %slice3A_37 : vector<128x1024xf32>
    %logistic3A_39 = math.exp %logistic3A_38 : vector<128x1024xf32>
    %logistic3A_40 = arith.constant 1.000000e+00 : f32
    %logistic3A_41 = vector.broadcast %logistic3A_40 : f32 to vector<128x1024xf32>
    %logistic3A_42 = arith.addf %logistic3A_41, %logistic3A_39 : vector<128x1024xf32>
    %logistic3A_43 = arith.divf %logistic3A_41, %logistic3A_42 : vector<128x1024xf32>
    %get3A_44 = arith.constant 0 : index
    %get3A_45 = arith.constant 0 : index
    %get3A_46 = vector.load %arg2[%get3A_44, %get3A_45] : memref<128x1024xf32, #tpu.memory_space<vmem>>, vector<128x1024xf32>
    %mul3A = arith.mulf %logistic3A_35, %get3A_46 : vector<128x1024xf32>
    %mul3A_47 = arith.mulf %logistic3A_28, %tanh3A : vector<128x1024xf32>
    %add3A_48 = arith.addf %mul3A, %mul3A_47 : vector<128x1024xf32>
    %swap3A = arith.constant 0 : index
    %swap3A_49 = arith.constant 0 : index
    %swap3A_50 = vector.load %arg8[%swap3A, %swap3A_49] : memref<128x1024xf32, #tpu.memory_space<vmem>>, vector<128x1024xf32>
    tpu.vector_store %arg8[%swap3A, %swap3A_49], %add3A_48 {strides = array<i32>} : memref<128x1024xf32, #tpu.memory_space<vmem>>, vector<128x1024xf32>,
    %tanh3A_51 = math.tanh %add3A_48 : vector<128x1024xf32>
    %mul3A_52 = arith.mulf %logistic3A_43, %tanh3A_51 : vector<128x1024xf32>
    %swap3A_53 = arith.constant 0 : index
    %swap3A_54 = arith.constant 0 : index
    %swap3A_55 = vector.load %arg7[%swap3A_53, %swap3A_54] : memref<128x1024xf32, #tpu.memory_space<vmem>>, vector<128x1024xf32>
    tpu.vector_store %arg7[%swap3A_53, %swap3A_54], %mul3A_52 {strides = array<i32>} : memref<128x1024xf32, #tpu.memory_space<vmem>>, vector<128x1024xf32>,
    return
  }
}

module attributes {stable_mosaic.version = 14 : i64} {
  func.func @_fc_body(%arg0: memref<128x1024xf32, #tpu.memory_space<vmem>>, %arg1: memref<49x2048xf32, #tpu.memory_space<vmem>>, %arg2: memref<100000x1024xf32, #tpu.memory_space<hbm>>, %arg3: memref<100000x128xf32, #tpu.memory_space<hbm>>, %arg4: memref<4x2048x1024xf32, #tpu.memory_space<vmem>>, %arg5: memref<4x2048x128xf32, #tpu.memory_space<vmem>>, %arg6: memref<4x!tpu.dma_semaphore, #tpu.memory_space<semaphore_mem>>, %arg7: memref<4x!tpu.dma_semaphore, #tpu.memory_space<semaphore_mem>>) attributes {dimension_semantics = [], scalar_prefetch = 0 : i64, scratch_operands = 4 : i64, tpu.core_type = #tpu.core_type<tc>} {
    %lt3A = arith.constant 0 : i32
    %lt3A_0 = arith.constant 48 : i32
    %lt3A_1 = arith.cmpi slt, %lt3A, %lt3A_0 : i32
    %convert_element_type3A = arith.extui %lt3A_1 : i1 to i32
    %cond3A = arith.constant 0 : i32
    %cond3A_2 = arith.constant 0 : i32
    %cond3A_3 = arith.cmpi ne, %convert_element_type3A, %cond3A_2 : i32
    scf.if %cond3A_3 {
      %rem3A_154 = arith.constant 4 : i32
      %rem3A_155 = arith.remsi %cond3A, %rem3A_154 : i32
      %mul3A_156 = arith.constant 2048 : i32
      %mul3A_157 = arith.muli %cond3A, %mul3A_156 : i32
      %add3A_158 = arith.constant 0 : i32
      %add3A_159 = arith.addi %mul3A_157, %add3A_158 : i32
      %dma_start3A_160 = tpu.memref_slice %arg6[%rem3A_155] : memref<4x!tpu.dma_semaphore, #tpu.memory_space<semaphore_mem>> -> memref<1x!tpu.dma_semaphore, #tpu.memory_space<semaphore_mem>>
      %dma_start3A_161 = tpu.memref_squeeze %dma_start3A_160 : memref<1x!tpu.dma_semaphore, #tpu.memory_space<semaphore_mem>> -> memref<!tpu.dma_semaphore, #tpu.memory_space<semaphore_mem>>
      %dma_start3A_162 = arith.constant 0 : i32
      %dma_start3A_163 = arith.constant 0 : i32
      %dma_start3A_164 = tpu.memref_slice %arg4[%rem3A_155, %dma_start3A_162, %dma_start3A_163] : memref<4x2048x1024xf32, #tpu.memory_space<vmem>> -> memref<1x512x1024xf32, #tpu.memory_space<vmem>>
      %dma_start3A_165 = tpu.memref_squeeze %dma_start3A_164 : memref<1x512x1024xf32, #tpu.memory_space<vmem>> -> memref<512x1024xf32, #tpu.memory_space<vmem>>
      %dma_start3A_166 = arith.constant 0 : i32
      %dma_start3A_167 = tpu.memref_slice %arg2[%add3A_159, %dma_start3A_166] : memref<100000x1024xf32, #tpu.memory_space<hbm>> -> memref<512x1024xf32, #tpu.memory_space<hbm>>
      tpu.enqueue_dma source(%dma_start3A_167 : memref<512x1024xf32, #tpu.memory_space<hbm>>) target(%dma_start3A_165 : memref<512x1024xf32, #tpu.memory_space<vmem>>) target_semaphore(%dma_start3A_161 : memref<!tpu.dma_semaphore, #tpu.memory_space<semaphore_mem>>)
      %mul3A_168 = arith.constant 2048 : i32
      %mul3A_169 = arith.muli %cond3A, %mul3A_168 : i32
      %add3A_170 = arith.constant 512 : i32
      %add3A_171 = arith.addi %mul3A_169, %add3A_170 : i32
      %dma_start3A_172 = tpu.memref_slice %arg6[%rem3A_155] : memref<4x!tpu.dma_semaphore, #tpu.memory_space<semaphore_mem>> -> memref<1x!tpu.dma_semaphore, #tpu.memory_space<semaphore_mem>>
      %dma_start3A_173 = tpu.memref_squeeze %dma_start3A_172 : memref<1x!tpu.dma_semaphore, #tpu.memory_space<semaphore_mem>> -> memref<!tpu.dma_semaphore, #tpu.memory_space<semaphore_mem>>
      %dma_start3A_174 = arith.constant 512 : i32
      %dma_start3A_175 = arith.constant 0 : i32
      %dma_start3A_176 = tpu.memref_slice %arg4[%rem3A_155, %dma_start3A_174, %dma_start3A_175] : memref<4x2048x1024xf32, #tpu.memory_space<vmem>> -> memref<1x512x1024xf32, #tpu.memory_space<vmem>>
      %dma_start3A_177 = tpu.memref_squeeze %dma_start3A_176 : memref<1x512x1024xf32, #tpu.memory_space<vmem>> -> memref<512x1024xf32, #tpu.memory_space<vmem>>
      %dma_start3A_178 = arith.constant 0 : i32
      %dma_start3A_179 = tpu.memref_slice %arg2[%add3A_171, %dma_start3A_178] : memref<100000x1024xf32, #tpu.memory_space<hbm>> -> memref<512x1024xf32, #tpu.memory_space<hbm>>
      tpu.enqueue_dma source(%dma_start3A_179 : memref<512x1024xf32, #tpu.memory_space<hbm>>) target(%dma_start3A_177 : memref<512x1024xf32, #tpu.memory_space<vmem>>) target_semaphore(%dma_start3A_173 : memref<!tpu.dma_semaphore, #tpu.memory_space<semaphore_mem>>)
      %mul3A_180 = arith.constant 2048 : i32
      %mul3A_181 = arith.muli %cond3A, %mul3A_180 : i32
      %add3A_182 = arith.constant 1024 : i32
      %add3A_183 = arith.addi %mul3A_181, %add3A_182 : i32
      %dma_start3A_184 = tpu.memref_slice %arg6[%rem3A_155] : memref<4x!tpu.dma_semaphore, #tpu.memory_space<semaphore_mem>> -> memref<1x!tpu.dma_semaphore, #tpu.memory_space<semaphore_mem>>
      %dma_start3A_185 = tpu.memref_squeeze %dma_start3A_184 : memref<1x!tpu.dma_semaphore, #tpu.memory_space<semaphore_mem>> -> memref<!tpu.dma_semaphore, #tpu.memory_space<semaphore_mem>>
      %dma_start3A_186 = arith.constant 1024 : i32
      %dma_start3A_187 = arith.constant 0 : i32
      %dma_start3A_188 = tpu.memref_slice %arg4[%rem3A_155, %dma_start3A_186, %dma_start3A_187] : memref<4x2048x1024xf32, #tpu.memory_space<vmem>> -> memref<1x512x1024xf32, #tpu.memory_space<vmem>>
      %dma_start3A_189 = tpu.memref_squeeze %dma_start3A_188 : memref<1x512x1024xf32, #tpu.memory_space<vmem>> -> memref<512x1024xf32, #tpu.memory_space<vmem>>
      %dma_start3A_190 = arith.constant 0 : i32
      %dma_start3A_191 = tpu.memref_slice %arg2[%add3A_183, %dma_start3A_190] : memref<100000x1024xf32, #tpu.memory_space<hbm>> -> memref<512x1024xf32, #tpu.memory_space<hbm>>
      tpu.enqueue_dma source(%dma_start3A_191 : memref<512x1024xf32, #tpu.memory_space<hbm>>) target(%dma_start3A_189 : memref<512x1024xf32, #tpu.memory_space<vmem>>) target_semaphore(%dma_start3A_185 : memref<!tpu.dma_semaphore, #tpu.memory_space<semaphore_mem>>)
      %mul3A_192 = arith.constant 2048 : i32
      %mul3A_193 = arith.muli %cond3A, %mul3A_192 : i32
      %add3A_194 = arith.constant 1536 : i32
      %add3A_195 = arith.addi %mul3A_193, %add3A_194 : i32
      %dma_start3A_196 = tpu.memref_slice %arg6[%rem3A_155] : memref<4x!tpu.dma_semaphore, #tpu.memory_space<semaphore_mem>> -> memref<1x!tpu.dma_semaphore, #tpu.memory_space<semaphore_mem>>
      %dma_start3A_197 = tpu.memref_squeeze %dma_start3A_196 : memref<1x!tpu.dma_semaphore, #tpu.memory_space<semaphore_mem>> -> memref<!tpu.dma_semaphore, #tpu.memory_space<semaphore_mem>>
      %dma_start3A_198 = arith.constant 1536 : i32
      %dma_start3A_199 = arith.constant 0 : i32
      %dma_start3A_200 = tpu.memref_slice %arg4[%rem3A_155, %dma_start3A_198, %dma_start3A_199] : memref<4x2048x1024xf32, #tpu.memory_space<vmem>> -> memref<1x512x1024xf32, #tpu.memory_space<vmem>>
      %dma_start3A_201 = tpu.memref_squeeze %dma_start3A_200 : memref<1x512x1024xf32, #tpu.memory_space<vmem>> -> memref<512x1024xf32, #tpu.memory_space<vmem>>
      %dma_start3A_202 = arith.constant 0 : i32
      %dma_start3A_203 = tpu.memref_slice %arg2[%add3A_195, %dma_start3A_202] : memref<100000x1024xf32, #tpu.memory_space<hbm>> -> memref<512x1024xf32, #tpu.memory_space<hbm>>
      tpu.enqueue_dma source(%dma_start3A_203 : memref<512x1024xf32, #tpu.memory_space<hbm>>) target(%dma_start3A_201 : memref<512x1024xf32, #tpu.memory_space<vmem>>) target_semaphore(%dma_start3A_197 : memref<!tpu.dma_semaphore, #tpu.memory_space<semaphore_mem>>)
    } else {
    }
    %eq3A = arith.constant 0 : i32
    %eq3A_4 = arith.constant 48 : i32
    %eq3A_5 = arith.cmpi eq, %eq3A, %eq3A_4 : i32
    %convert_element_type3A_6 = arith.extui %eq3A_5 : i1 to i32
    %cond3A_7 = arith.constant 0 : i32
    %cond3A_8 = arith.constant 0 : i32
    %cond3A_9 = arith.cmpi ne, %convert_element_type3A_6, %cond3A_8 : i32
    scf.if %cond3A_9 {
      %rem3A_154 = arith.constant 4 : i32
      %rem3A_155 = arith.remsi %cond3A_7, %rem3A_154 : i32
      %mul3A_156 = arith.constant 2048 : i32
      %mul3A_157 = arith.muli %cond3A_7, %mul3A_156 : i32
      %add3A_158 = arith.constant 0 : i32
      %add3A_159 = arith.addi %mul3A_157, %add3A_158 : i32
      %dma_start3A_160 = tpu.memref_slice %arg6[%rem3A_155] : memref<4x!tpu.dma_semaphore, #tpu.memory_space<semaphore_mem>> -> memref<1x!tpu.dma_semaphore, #tpu.memory_space<semaphore_mem>>
      %dma_start3A_161 = tpu.memref_squeeze %dma_start3A_160 : memref<1x!tpu.dma_semaphore, #tpu.memory_space<semaphore_mem>> -> memref<!tpu.dma_semaphore, #tpu.memory_space<semaphore_mem>>
      %dma_start3A_162 = arith.constant 0 : i32
      %dma_start3A_163 = arith.constant 0 : i32
      %dma_start3A_164 = tpu.memref_slice %arg4[%rem3A_155, %dma_start3A_162, %dma_start3A_163] : memref<4x2048x1024xf32, #tpu.memory_space<vmem>> -> memref<1x512x1024xf32, #tpu.memory_space<vmem>>
      %dma_start3A_165 = tpu.memref_squeeze %dma_start3A_164 : memref<1x512x1024xf32, #tpu.memory_space<vmem>> -> memref<512x1024xf32, #tpu.memory_space<vmem>>
      %dma_start3A_166 = arith.constant 0 : i32
      %dma_start3A_167 = tpu.memref_slice %arg2[%add3A_159, %dma_start3A_166] : memref<100000x1024xf32, #tpu.memory_space<hbm>> -> memref<512x1024xf32, #tpu.memory_space<hbm>>
      tpu.enqueue_dma source(%dma_start3A_167 : memref<512x1024xf32, #tpu.memory_space<hbm>>) target(%dma_start3A_165 : memref<512x1024xf32, #tpu.memory_space<vmem>>) target_semaphore(%dma_start3A_161 : memref<!tpu.dma_semaphore, #tpu.memory_space<semaphore_mem>>)
      %mul3A_168 = arith.constant 2048 : i32
      %mul3A_169 = arith.muli %cond3A_7, %mul3A_168 : i32
      %add3A_170 = arith.constant 512 : i32
      %add3A_171 = arith.addi %mul3A_169, %add3A_170 : i32
      %dma_start3A_172 = tpu.memref_slice %arg6[%rem3A_155] : memref<4x!tpu.dma_semaphore, #tpu.memory_space<semaphore_mem>> -> memref<1x!tpu.dma_semaphore, #tpu.memory_space<semaphore_mem>>
      %dma_start3A_173 = tpu.memref_squeeze %dma_start3A_172 : memref<1x!tpu.dma_semaphore, #tpu.memory_space<semaphore_mem>> -> memref<!tpu.dma_semaphore, #tpu.memory_space<semaphore_mem>>
      %dma_start3A_174 = arith.constant 512 : i32
      %dma_start3A_175 = arith.constant 0 : i32
      %dma_start3A_176 = tpu.memref_slice %arg4[%rem3A_155, %dma_start3A_174, %dma_start3A_175] : memref<4x2048x1024xf32, #tpu.memory_space<vmem>> -> memref<1x512x1024xf32, #tpu.memory_space<vmem>>
      %dma_start3A_177 = tpu.memref_squeeze %dma_start3A_176 : memref<1x512x1024xf32, #tpu.memory_space<vmem>> -> memref<512x1024xf32, #tpu.memory_space<vmem>>
      %dma_start3A_178 = arith.constant 0 : i32
      %dma_start3A_179 = tpu.memref_slice %arg2[%add3A_171, %dma_start3A_178] : memref<100000x1024xf32, #tpu.memory_space<hbm>> -> memref<512x1024xf32, #tpu.memory_space<hbm>>
      tpu.enqueue_dma source(%dma_start3A_179 : memref<512x1024xf32, #tpu.memory_space<hbm>>) target(%dma_start3A_177 : memref<512x1024xf32, #tpu.memory_space<vmem>>) target_semaphore(%dma_start3A_173 : memref<!tpu.dma_semaphore, #tpu.memory_space<semaphore_mem>>)
      %mul3A_180 = arith.constant 2048 : i32
      %mul3A_181 = arith.muli %cond3A_7, %mul3A_180 : i32
      %add3A_182 = arith.constant 1024 : i32
      %add3A_183 = arith.addi %mul3A_181, %add3A_182 : i32
      %dma_start3A_184 = tpu.memref_slice %arg6[%rem3A_155] : memref<4x!tpu.dma_semaphore, #tpu.memory_space<semaphore_mem>> -> memref<1x!tpu.dma_semaphore, #tpu.memory_space<semaphore_mem>>
      %dma_start3A_185 = tpu.memref_squeeze %dma_start3A_184 : memref<1x!tpu.dma_semaphore, #tpu.memory_space<semaphore_mem>> -> memref<!tpu.dma_semaphore, #tpu.memory_space<semaphore_mem>>
      %dma_start3A_186 = arith.constant 1024 : i32
      %dma_start3A_187 = arith.constant 0 : i32
      %dma_start3A_188 = tpu.memref_slice %arg4[%rem3A_155, %dma_start3A_186, %dma_start3A_187] : memref<4x2048x1024xf32, #tpu.memory_space<vmem>> -> memref<1x512x1024xf32, #tpu.memory_space<vmem>>
      %dma_start3A_189 = tpu.memref_squeeze %dma_start3A_188 : memref<1x512x1024xf32, #tpu.memory_space<vmem>> -> memref<512x1024xf32, #tpu.memory_space<vmem>>
      %dma_start3A_190 = arith.constant 0 : i32
      %dma_start3A_191 = tpu.memref_slice %arg2[%add3A_183, %dma_start3A_190] : memref<100000x1024xf32, #tpu.memory_space<hbm>> -> memref<512x1024xf32, #tpu.memory_space<hbm>>
      tpu.enqueue_dma source(%dma_start3A_191 : memref<512x1024xf32, #tpu.memory_space<hbm>>) target(%dma_start3A_189 : memref<512x1024xf32, #tpu.memory_space<vmem>>) target_semaphore(%dma_start3A_185 : memref<!tpu.dma_semaphore, #tpu.memory_space<semaphore_mem>>)
      %mul3A_192 = arith.constant 2048 : i32
      %mul3A_193 = arith.muli %cond3A_7, %mul3A_192 : i32
      %add3A_194 = arith.constant 1536 : i32
      %add3A_195 = arith.addi %mul3A_193, %add3A_194 : i32
      %dma_start3A_196 = tpu.memref_slice %arg6[%rem3A_155] : memref<4x!tpu.dma_semaphore, #tpu.memory_space<semaphore_mem>> -> memref<1x!tpu.dma_semaphore, #tpu.memory_space<semaphore_mem>>
      %dma_start3A_197 = tpu.memref_squeeze %dma_start3A_196 : memref<1x!tpu.dma_semaphore, #tpu.memory_space<semaphore_mem>> -> memref<!tpu.dma_semaphore, #tpu.memory_space<semaphore_mem>>
      %dma_start3A_198 = arith.constant 1536 : i32
      %dma_start3A_199 = arith.constant 0 : i32
      %dma_start3A_200 = tpu.memref_slice %arg4[%rem3A_155, %dma_start3A_198, %dma_start3A_199] : memref<4x2048x1024xf32, #tpu.memory_space<vmem>> -> memref<1x160x1024xf32, #tpu.memory_space<vmem>>
      %dma_start3A_201 = tpu.memref_squeeze %dma_start3A_200 : memref<1x160x1024xf32, #tpu.memory_space<vmem>> -> memref<160x1024xf32, #tpu.memory_space<vmem>>
      %dma_start3A_202 = arith.constant 0 : i32
      %dma_start3A_203 = tpu.memref_slice %arg2[%add3A_195, %dma_start3A_202] : memref<100000x1024xf32, #tpu.memory_space<hbm>> -> memref<160x1024xf32, #tpu.memory_space<hbm>>
      tpu.enqueue_dma source(%dma_start3A_203 : memref<160x1024xf32, #tpu.memory_space<hbm>>) target(%dma_start3A_201 : memref<160x1024xf32, #tpu.memory_space<vmem>>) target_semaphore(%dma_start3A_197 : memref<!tpu.dma_semaphore, #tpu.memory_space<semaphore_mem>>)
    } else {
    }
    %lt3A_10 = arith.constant 1 : i32
    %lt3A_11 = arith.constant 48 : i32
    %lt3A_12 = arith.cmpi slt, %lt3A_10, %lt3A_11 : i32
    %convert_element_type3A_13 = arith.extui %lt3A_12 : i1 to i32
    %cond3A_14 = arith.constant 1 : i32
    %cond3A_15 = arith.constant 0 : i32
    %cond3A_16 = arith.cmpi ne, %convert_element_type3A_13, %cond3A_15 : i32
    scf.if %cond3A_16 {
      %rem3A_154 = arith.constant 4 : i32
      %rem3A_155 = arith.remsi %cond3A_14, %rem3A_154 : i32
      %mul3A_156 = arith.constant 2048 : i32
      %mul3A_157 = arith.muli %cond3A_14, %mul3A_156 : i32
      %add3A_158 = arith.constant 0 : i32
      %add3A_159 = arith.addi %mul3A_157, %add3A_158 : i32
      %dma_start3A_160 = tpu.memref_slice %arg6[%rem3A_155] : memref<4x!tpu.dma_semaphore, #tpu.memory_space<semaphore_mem>> -> memref<1x!tpu.dma_semaphore, #tpu.memory_space<semaphore_mem>>
      %dma_start3A_161 = tpu.memref_squeeze %dma_start3A_160 : memref<1x!tpu.dma_semaphore, #tpu.memory_space<semaphore_mem>> -> memref<!tpu.dma_semaphore, #tpu.memory_space<semaphore_mem>>
      %dma_start3A_162 = arith.constant 0 : i32
      %dma_start3A_163 = arith.constant 0 : i32
      %dma_start3A_164 = tpu.memref_slice %arg4[%rem3A_155, %dma_start3A_162, %dma_start3A_163] : memref<4x2048x1024xf32, #tpu.memory_space<vmem>> -> memref<1x512x1024xf32, #tpu.memory_space<vmem>>
      %dma_start3A_165 = tpu.memref_squeeze %dma_start3A_164 : memref<1x512x1024xf32, #tpu.memory_space<vmem>> -> memref<512x1024xf32, #tpu.memory_space<vmem>>
      %dma_start3A_166 = arith.constant 0 : i32
      %dma_start3A_167 = tpu.memref_slice %arg2[%add3A_159, %dma_start3A_166] : memref<100000x1024xf32, #tpu.memory_space<hbm>> -> memref<512x1024xf32, #tpu.memory_space<hbm>>
      tpu.enqueue_dma source(%dma_start3A_167 : memref<512x1024xf32, #tpu.memory_space<hbm>>) target(%dma_start3A_165 : memref<512x1024xf32, #tpu.memory_space<vmem>>) target_semaphore(%dma_start3A_161 : memref<!tpu.dma_semaphore, #tpu.memory_space<semaphore_mem>>)
      %mul3A_168 = arith.constant 2048 : i32
      %mul3A_169 = arith.muli %cond3A_14, %mul3A_168 : i32
      %add3A_170 = arith.constant 512 : i32
      %add3A_171 = arith.addi %mul3A_169, %add3A_170 : i32
      %dma_start3A_172 = tpu.memref_slice %arg6[%rem3A_155] : memref<4x!tpu.dma_semaphore, #tpu.memory_space<semaphore_mem>> -> memref<1x!tpu.dma_semaphore, #tpu.memory_space<semaphore_mem>>
      %dma_start3A_173 = tpu.memref_squeeze %dma_start3A_172 : memref<1x!tpu.dma_semaphore, #tpu.memory_space<semaphore_mem>> -> memref<!tpu.dma_semaphore, #tpu.memory_space<semaphore_mem>>
      %dma_start3A_174 = arith.constant 512 : i32
      %dma_start3A_175 = arith.constant 0 : i32
      %dma_start3A_176 = tpu.memref_slice %arg4[%rem3A_155, %dma_start3A_174, %dma_start3A_175] : memref<4x2048x1024xf32, #tpu.memory_space<vmem>> -> memref<1x512x1024xf32, #tpu.memory_space<vmem>>
      %dma_start3A_177 = tpu.memref_squeeze %dma_start3A_176 : memref<1x512x1024xf32, #tpu.memory_space<vmem>> -> memref<512x1024xf32, #tpu.memory_space<vmem>>
      %dma_start3A_178 = arith.constant 0 : i32
      %dma_start3A_179 = tpu.memref_slice %arg2[%add3A_171, %dma_start3A_178] : memref<100000x1024xf32, #tpu.memory_space<hbm>> -> memref<512x1024xf32, #tpu.memory_space<hbm>>
      tpu.enqueue_dma source(%dma_start3A_179 : memref<512x1024xf32, #tpu.memory_space<hbm>>) target(%dma_start3A_177 : memref<512x1024xf32, #tpu.memory_space<vmem>>) target_semaphore(%dma_start3A_173 : memref<!tpu.dma_semaphore, #tpu.memory_space<semaphore_mem>>)
      %mul3A_180 = arith.constant 2048 : i32
      %mul3A_181 = arith.muli %cond3A_14, %mul3A_180 : i32
      %add3A_182 = arith.constant 1024 : i32
      %add3A_183 = arith.addi %mul3A_181, %add3A_182 : i32
      %dma_start3A_184 = tpu.memref_slice %arg6[%rem3A_155] : memref<4x!tpu.dma_semaphore, #tpu.memory_space<semaphore_mem>> -> memref<1x!tpu.dma_semaphore, #tpu.memory_space<semaphore_mem>>
      %dma_start3A_185 = tpu.memref_squeeze %dma_start3A_184 : memref<1x!tpu.dma_semaphore, #tpu.memory_space<semaphore_mem>> -> memref<!tpu.dma_semaphore, #tpu.memory_space<semaphore_mem>>
      %dma_start3A_186 = arith.constant 1024 : i32
      %dma_start3A_187 = arith.constant 0 : i32
      %dma_start3A_188 = tpu.memref_slice %arg4[%rem3A_155, %dma_start3A_186, %dma_start3A_187] : memref<4x2048x1024xf32, #tpu.memory_space<vmem>> -> memref<1x512x1024xf32, #tpu.memory_space<vmem>>
      %dma_start3A_189 = tpu.memref_squeeze %dma_start3A_188 : memref<1x512x1024xf32, #tpu.memory_space<vmem>> -> memref<512x1024xf32, #tpu.memory_space<vmem>>
      %dma_start3A_190 = arith.constant 0 : i32
      %dma_start3A_191 = tpu.memref_slice %arg2[%add3A_183, %dma_start3A_190] : memref<100000x1024xf32, #tpu.memory_space<hbm>> -> memref<512x1024xf32, #tpu.memory_space<hbm>>
      tpu.enqueue_dma source(%dma_start3A_191 : memref<512x1024xf32, #tpu.memory_space<hbm>>) target(%dma_start3A_189 : memref<512x1024xf32, #tpu.memory_space<vmem>>) target_semaphore(%dma_start3A_185 : memref<!tpu.dma_semaphore, #tpu.memory_space<semaphore_mem>>)
      %mul3A_192 = arith.constant 2048 : i32
      %mul3A_193 = arith.muli %cond3A_14, %mul3A_192 : i32
      %add3A_194 = arith.constant 1536 : i32
      %add3A_195 = arith.addi %mul3A_193, %add3A_194 : i32
      %dma_start3A_196 = tpu.memref_slice %arg6[%rem3A_155] : memref<4x!tpu.dma_semaphore, #tpu.memory_space<semaphore_mem>> -> memref<1x!tpu.dma_semaphore, #tpu.memory_space<semaphore_mem>>
      %dma_start3A_197 = tpu.memref_squeeze %dma_start3A_196 : memref<1x!tpu.dma_semaphore, #tpu.memory_space<semaphore_mem>> -> memref<!tpu.dma_semaphore, #tpu.memory_space<semaphore_mem>>
      %dma_start3A_198 = arith.constant 1536 : i32
      %dma_start3A_199 = arith.constant 0 : i32
      %dma_start3A_200 = tpu.memref_slice %arg4[%rem3A_155, %dma_start3A_198, %dma_start3A_199] : memref<4x2048x1024xf32, #tpu.memory_space<vmem>> -> memref<1x512x1024xf32, #tpu.memory_space<vmem>>
      %dma_start3A_201 = tpu.memref_squeeze %dma_start3A_200 : memref<1x512x1024xf32, #tpu.memory_space<vmem>> -> memref<512x1024xf32, #tpu.memory_space<vmem>>
      %dma_start3A_202 = arith.constant 0 : i32
      %dma_start3A_203 = tpu.memref_slice %arg2[%add3A_195, %dma_start3A_202] : memref<100000x1024xf32, #tpu.memory_space<hbm>> -> memref<512x1024xf32, #tpu.memory_space<hbm>>
      tpu.enqueue_dma source(%dma_start3A_203 : memref<512x1024xf32, #tpu.memory_space<hbm>>) target(%dma_start3A_201 : memref<512x1024xf32, #tpu.memory_space<vmem>>) target_semaphore(%dma_start3A_197 : memref<!tpu.dma_semaphore, #tpu.memory_space<semaphore_mem>>)
    } else {
    }
    %eq3A_17 = arith.constant 1 : i32
    %eq3A_18 = arith.constant 48 : i32
    %eq3A_19 = arith.cmpi eq, %eq3A_17, %eq3A_18 : i32
    %convert_element_type3A_20 = arith.extui %eq3A_19 : i1 to i32
    %cond3A_21 = arith.constant 1 : i32
    %cond3A_22 = arith.constant 0 : i32
    %cond3A_23 = arith.cmpi ne, %convert_element_type3A_20, %cond3A_22 : i32
    scf.if %cond3A_23 {
      %rem3A_154 = arith.constant 4 : i32
      %rem3A_155 = arith.remsi %cond3A_21, %rem3A_154 : i32
      %mul3A_156 = arith.constant 2048 : i32
      %mul3A_157 = arith.muli %cond3A_21, %mul3A_156 : i32
      %add3A_158 = arith.constant 0 : i32
      %add3A_159 = arith.addi %mul3A_157, %add3A_158 : i32
      %dma_start3A_160 = tpu.memref_slice %arg6[%rem3A_155] : memref<4x!tpu.dma_semaphore, #tpu.memory_space<semaphore_mem>> -> memref<1x!tpu.dma_semaphore, #tpu.memory_space<semaphore_mem>>
      %dma_start3A_161 = tpu.memref_squeeze %dma_start3A_160 : memref<1x!tpu.dma_semaphore, #tpu.memory_space<semaphore_mem>> -> memref<!tpu.dma_semaphore, #tpu.memory_space<semaphore_mem>>
      %dma_start3A_162 = arith.constant 0 : i32
      %dma_start3A_163 = arith.constant 0 : i32
      %dma_start3A_164 = tpu.memref_slice %arg4[%rem3A_155, %dma_start3A_162, %dma_start3A_163] : memref<4x2048x1024xf32, #tpu.memory_space<vmem>> -> memref<1x512x1024xf32, #tpu.memory_space<vmem>>
      %dma_start3A_165 = tpu.memref_squeeze %dma_start3A_164 : memref<1x512x1024xf32, #tpu.memory_space<vmem>> -> memref<512x1024xf32, #tpu.memory_space<vmem>>
      %dma_start3A_166 = arith.constant 0 : i32
      %dma_start3A_167 = tpu.memref_slice %arg2[%add3A_159, %dma_start3A_166] : memref<100000x1024xf32, #tpu.memory_space<hbm>> -> memref<512x1024xf32, #tpu.memory_space<hbm>>
      tpu.enqueue_dma source(%dma_start3A_167 : memref<512x1024xf32, #tpu.memory_space<hbm>>) target(%dma_start3A_165 : memref<512x1024xf32, #tpu.memory_space<vmem>>) target_semaphore(%dma_start3A_161 : memref<!tpu.dma_semaphore, #tpu.memory_space<semaphore_mem>>)
      %mul3A_168 = arith.constant 2048 : i32
      %mul3A_169 = arith.muli %cond3A_21, %mul3A_168 : i32
      %add3A_170 = arith.constant 512 : i32
      %add3A_171 = arith.addi %mul3A_169, %add3A_170 : i32
      %dma_start3A_172 = tpu.memref_slice %arg6[%rem3A_155] : memref<4x!tpu.dma_semaphore, #tpu.memory_space<semaphore_mem>> -> memref<1x!tpu.dma_semaphore, #tpu.memory_space<semaphore_mem>>
      %dma_start3A_173 = tpu.memref_squeeze %dma_start3A_172 : memref<1x!tpu.dma_semaphore, #tpu.memory_space<semaphore_mem>> -> memref<!tpu.dma_semaphore, #tpu.memory_space<semaphore_mem>>
      %dma_start3A_174 = arith.constant 512 : i32
      %dma_start3A_175 = arith.constant 0 : i32
      %dma_start3A_176 = tpu.memref_slice %arg4[%rem3A_155, %dma_start3A_174, %dma_start3A_175] : memref<4x2048x1024xf32, #tpu.memory_space<vmem>> -> memref<1x512x1024xf32, #tpu.memory_space<vmem>>
      %dma_start3A_177 = tpu.memref_squeeze %dma_start3A_176 : memref<1x512x1024xf32, #tpu.memory_space<vmem>> -> memref<512x1024xf32, #tpu.memory_space<vmem>>
      %dma_start3A_178 = arith.constant 0 : i32
      %dma_start3A_179 = tpu.memref_slice %arg2[%add3A_171, %dma_start3A_178] : memref<100000x1024xf32, #tpu.memory_space<hbm>> -> memref<512x1024xf32, #tpu.memory_space<hbm>>
      tpu.enqueue_dma source(%dma_start3A_179 : memref<512x1024xf32, #tpu.memory_space<hbm>>) target(%dma_start3A_177 : memref<512x1024xf32, #tpu.memory_space<vmem>>) target_semaphore(%dma_start3A_173 : memref<!tpu.dma_semaphore, #tpu.memory_space<semaphore_mem>>)
      %mul3A_180 = arith.constant 2048 : i32
      %mul3A_181 = arith.muli %cond3A_21, %mul3A_180 : i32
      %add3A_182 = arith.constant 1024 : i32
      %add3A_183 = arith.addi %mul3A_181, %add3A_182 : i32
      %dma_start3A_184 = tpu.memref_slice %arg6[%rem3A_155] : memref<4x!tpu.dma_semaphore, #tpu.memory_space<semaphore_mem>> -> memref<1x!tpu.dma_semaphore, #tpu.memory_space<semaphore_mem>>
      %dma_start3A_185 = tpu.memref_squeeze %dma_start3A_184 : memref<1x!tpu.dma_semaphore, #tpu.memory_space<semaphore_mem>> -> memref<!tpu.dma_semaphore, #tpu.memory_space<semaphore_mem>>
      %dma_start3A_186 = arith.constant 1024 : i32
      %dma_start3A_187 = arith.constant 0 : i32
      %dma_start3A_188 = tpu.memref_slice %arg4[%rem3A_155, %dma_start3A_186, %dma_start3A_187] : memref<4x2048x1024xf32, #tpu.memory_space<vmem>> -> memref<1x512x1024xf32, #tpu.memory_space<vmem>>
      %dma_start3A_189 = tpu.memref_squeeze %dma_start3A_188 : memref<1x512x1024xf32, #tpu.memory_space<vmem>> -> memref<512x1024xf32, #tpu.memory_space<vmem>>
      %dma_start3A_190 = arith.constant 0 : i32
      %dma_start3A_191 = tpu.memref_slice %arg2[%add3A_183, %dma_start3A_190] : memref<100000x1024xf32, #tpu.memory_space<hbm>> -> memref<512x1024xf32, #tpu.memory_space<hbm>>
      tpu.enqueue_dma source(%dma_start3A_191 : memref<512x1024xf32, #tpu.memory_space<hbm>>) target(%dma_start3A_189 : memref<512x1024xf32, #tpu.memory_space<vmem>>) target_semaphore(%dma_start3A_185 : memref<!tpu.dma_semaphore, #tpu.memory_space<semaphore_mem>>)
      %mul3A_192 = arith.constant 2048 : i32
      %mul3A_193 = arith.muli %cond3A_21, %mul3A_192 : i32
      %add3A_194 = arith.constant 1536 : i32
      %add3A_195 = arith.addi %mul3A_193, %add3A_194 : i32
      %dma_start3A_196 = tpu.memref_slice %arg6[%rem3A_155] : memref<4x!tpu.dma_semaphore, #tpu.memory_space<semaphore_mem>> -> memref<1x!tpu.dma_semaphore, #tpu.memory_space<semaphore_mem>>
      %dma_start3A_197 = tpu.memref_squeeze %dma_start3A_196 : memref<1x!tpu.dma_semaphore, #tpu.memory_space<semaphore_mem>> -> memref<!tpu.dma_semaphore, #tpu.memory_space<semaphore_mem>>
      %dma_start3A_198 = arith.constant 1536 : i32
      %dma_start3A_199 = arith.constant 0 : i32
      %dma_start3A_200 = tpu.memref_slice %arg4[%rem3A_155, %dma_start3A_198, %dma_start3A_199] : memref<4x2048x1024xf32, #tpu.memory_space<vmem>> -> memref<1x160x1024xf32, #tpu.memory_space<vmem>>
      %dma_start3A_201 = tpu.memref_squeeze %dma_start3A_200 : memref<1x160x1024xf32, #tpu.memory_space<vmem>> -> memref<160x1024xf32, #tpu.memory_space<vmem>>
      %dma_start3A_202 = arith.constant 0 : i32
      %dma_start3A_203 = tpu.memref_slice %arg2[%add3A_195, %dma_start3A_202] : memref<100000x1024xf32, #tpu.memory_space<hbm>> -> memref<160x1024xf32, #tpu.memory_space<hbm>>
      tpu.enqueue_dma source(%dma_start3A_203 : memref<160x1024xf32, #tpu.memory_space<hbm>>) target(%dma_start3A_201 : memref<160x1024xf32, #tpu.memory_space<vmem>>) target_semaphore(%dma_start3A_197 : memref<!tpu.dma_semaphore, #tpu.memory_space<semaphore_mem>>)
    } else {
    }
    %lt3A_24 = arith.constant 2 : i32
    %lt3A_25 = arith.constant 48 : i32
    %lt3A_26 = arith.cmpi slt, %lt3A_24, %lt3A_25 : i32
    %convert_element_type3A_27 = arith.extui %lt3A_26 : i1 to i32
    %cond3A_28 = arith.constant 2 : i32
    %cond3A_29 = arith.constant 0 : i32
    %cond3A_30 = arith.cmpi ne, %convert_element_type3A_27, %cond3A_29 : i32
    scf.if %cond3A_30 {
      %rem3A_154 = arith.constant 4 : i32
      %rem3A_155 = arith.remsi %cond3A_28, %rem3A_154 : i32
      %mul3A_156 = arith.constant 2048 : i32
      %mul3A_157 = arith.muli %cond3A_28, %mul3A_156 : i32
      %add3A_158 = arith.constant 0 : i32
      %add3A_159 = arith.addi %mul3A_157, %add3A_158 : i32
      %dma_start3A_160 = tpu.memref_slice %arg6[%rem3A_155] : memref<4x!tpu.dma_semaphore, #tpu.memory_space<semaphore_mem>> -> memref<1x!tpu.dma_semaphore, #tpu.memory_space<semaphore_mem>>
      %dma_start3A_161 = tpu.memref_squeeze %dma_start3A_160 : memref<1x!tpu.dma_semaphore, #tpu.memory_space<semaphore_mem>> -> memref<!tpu.dma_semaphore, #tpu.memory_space<semaphore_mem>>
      %dma_start3A_162 = arith.constant 0 : i32
      %dma_start3A_163 = arith.constant 0 : i32
      %dma_start3A_164 = tpu.memref_slice %arg4[%rem3A_155, %dma_start3A_162, %dma_start3A_163] : memref<4x2048x1024xf32, #tpu.memory_space<vmem>> -> memref<1x512x1024xf32, #tpu.memory_space<vmem>>
      %dma_start3A_165 = tpu.memref_squeeze %dma_start3A_164 : memref<1x512x1024xf32, #tpu.memory_space<vmem>> -> memref<512x1024xf32, #tpu.memory_space<vmem>>
      %dma_start3A_166 = arith.constant 0 : i32
      %dma_start3A_167 = tpu.memref_slice %arg2[%add3A_159, %dma_start3A_166] : memref<100000x1024xf32, #tpu.memory_space<hbm>> -> memref<512x1024xf32, #tpu.memory_space<hbm>>
      tpu.enqueue_dma source(%dma_start3A_167 : memref<512x1024xf32, #tpu.memory_space<hbm>>) target(%dma_start3A_165 : memref<512x1024xf32, #tpu.memory_space<vmem>>) target_semaphore(%dma_start3A_161 : memref<!tpu.dma_semaphore, #tpu.memory_space<semaphore_mem>>)
      %mul3A_168 = arith.constant 2048 : i32
      %mul3A_169 = arith.muli %cond3A_28, %mul3A_168 : i32
      %add3A_170 = arith.constant 512 : i32
      %add3A_171 = arith.addi %mul3A_169, %add3A_170 : i32
      %dma_start3A_172 = tpu.memref_slice %arg6[%rem3A_155] : memref<4x!tpu.dma_semaphore, #tpu.memory_space<semaphore_mem>> -> memref<1x!tpu.dma_semaphore, #tpu.memory_space<semaphore_mem>>
      %dma_start3A_173 = tpu.memref_squeeze %dma_start3A_172 : memref<1x!tpu.dma_semaphore, #tpu.memory_space<semaphore_mem>> -> memref<!tpu.dma_semaphore, #tpu.memory_space<semaphore_mem>>
      %dma_start3A_174 = arith.constant 512 : i32
      %dma_start3A_175 = arith.constant 0 : i32
      %dma_start3A_176 = tpu.memref_slice %arg4[%rem3A_155, %dma_start3A_174, %dma_start3A_175] : memref<4x2048x1024xf32, #tpu.memory_space<vmem>> -> memref<1x512x1024xf32, #tpu.memory_space<vmem>>
      %dma_start3A_177 = tpu.memref_squeeze %dma_start3A_176 : memref<1x512x1024xf32, #tpu.memory_space<vmem>> -> memref<512x1024xf32, #tpu.memory_space<vmem>>
      %dma_start3A_178 = arith.constant 0 : i32
      %dma_start3A_179 = tpu.memref_slice %arg2[%add3A_171, %dma_start3A_178] : memref<100000x1024xf32, #tpu.memory_space<hbm>> -> memref<512x1024xf32, #tpu.memory_space<hbm>>
      tpu.enqueue_dma source(%dma_start3A_179 : memref<512x1024xf32, #tpu.memory_space<hbm>>) target(%dma_start3A_177 : memref<512x1024xf32, #tpu.memory_space<vmem>>) target_semaphore(%dma_start3A_173 : memref<!tpu.dma_semaphore, #tpu.memory_space<semaphore_mem>>)
      %mul3A_180 = arith.constant 2048 : i32
      %mul3A_181 = arith.muli %cond3A_28, %mul3A_180 : i32
      %add3A_182 = arith.constant 1024 : i32
      %add3A_183 = arith.addi %mul3A_181, %add3A_182 : i32
      %dma_start3A_184 = tpu.memref_slice %arg6[%rem3A_155] : memref<4x!tpu.dma_semaphore, #tpu.memory_space<semaphore_mem>> -> memref<1x!tpu.dma_semaphore, #tpu.memory_space<semaphore_mem>>
      %dma_start3A_185 = tpu.memref_squeeze %dma_start3A_184 : memref<1x!tpu.dma_semaphore, #tpu.memory_space<semaphore_mem>> -> memref<!tpu.dma_semaphore, #tpu.memory_space<semaphore_mem>>
      %dma_start3A_186 = arith.constant 1024 : i32
      %dma_start3A_187 = arith.constant 0 : i32
      %dma_start3A_188 = tpu.memref_slice %arg4[%rem3A_155, %dma_start3A_186, %dma_start3A_187] : memref<4x2048x1024xf32, #tpu.memory_space<vmem>> -> memref<1x512x1024xf32, #tpu.memory_space<vmem>>
      %dma_start3A_189 = tpu.memref_squeeze %dma_start3A_188 : memref<1x512x1024xf32, #tpu.memory_space<vmem>> -> memref<512x1024xf32, #tpu.memory_space<vmem>>
      %dma_start3A_190 = arith.constant 0 : i32
      %dma_start3A_191 = tpu.memref_slice %arg2[%add3A_183, %dma_start3A_190] : memref<100000x1024xf32, #tpu.memory_space<hbm>> -> memref<512x1024xf32, #tpu.memory_space<hbm>>
      tpu.enqueue_dma source(%dma_start3A_191 : memref<512x1024xf32, #tpu.memory_space<hbm>>) target(%dma_start3A_189 : memref<512x1024xf32, #tpu.memory_space<vmem>>) target_semaphore(%dma_start3A_185 : memref<!tpu.dma_semaphore, #tpu.memory_space<semaphore_mem>>)
      %mul3A_192 = arith.constant 2048 : i32
      %mul3A_193 = arith.muli %cond3A_28, %mul3A_192 : i32
      %add3A_194 = arith.constant 1536 : i32
      %add3A_195 = arith.addi %mul3A_193, %add3A_194 : i32
      %dma_start3A_196 = tpu.memref_slice %arg6[%rem3A_155] : memref<4x!tpu.dma_semaphore, #tpu.memory_space<semaphore_mem>> -> memref<1x!tpu.dma_semaphore, #tpu.memory_space<semaphore_mem>>
      %dma_start3A_197 = tpu.memref_squeeze %dma_start3A_196 : memref<1x!tpu.dma_semaphore, #tpu.memory_space<semaphore_mem>> -> memref<!tpu.dma_semaphore, #tpu.memory_space<semaphore_mem>>
      %dma_start3A_198 = arith.constant 1536 : i32
      %dma_start3A_199 = arith.constant 0 : i32
      %dma_start3A_200 = tpu.memref_slice %arg4[%rem3A_155, %dma_start3A_198, %dma_start3A_199] : memref<4x2048x1024xf32, #tpu.memory_space<vmem>> -> memref<1x512x1024xf32, #tpu.memory_space<vmem>>
      %dma_start3A_201 = tpu.memref_squeeze %dma_start3A_200 : memref<1x512x1024xf32, #tpu.memory_space<vmem>> -> memref<512x1024xf32, #tpu.memory_space<vmem>>
      %dma_start3A_202 = arith.constant 0 : i32
      %dma_start3A_203 = tpu.memref_slice %arg2[%add3A_195, %dma_start3A_202] : memref<100000x1024xf32, #tpu.memory_space<hbm>> -> memref<512x1024xf32, #tpu.memory_space<hbm>>
      tpu.enqueue_dma source(%dma_start3A_203 : memref<512x1024xf32, #tpu.memory_space<hbm>>) target(%dma_start3A_201 : memref<512x1024xf32, #tpu.memory_space<vmem>>) target_semaphore(%dma_start3A_197 : memref<!tpu.dma_semaphore, #tpu.memory_space<semaphore_mem>>)
    } else {
    }
    %eq3A_31 = arith.constant 2 : i32
    %eq3A_32 = arith.constant 48 : i32
    %eq3A_33 = arith.cmpi eq, %eq3A_31, %eq3A_32 : i32
    %convert_element_type3A_34 = arith.extui %eq3A_33 : i1 to i32
    %cond3A_35 = arith.constant 2 : i32
    %cond3A_36 = arith.constant 0 : i32
    %cond3A_37 = arith.cmpi ne, %convert_element_type3A_34, %cond3A_36 : i32
    scf.if %cond3A_37 {
      %rem3A_154 = arith.constant 4 : i32
      %rem3A_155 = arith.remsi %cond3A_35, %rem3A_154 : i32
      %mul3A_156 = arith.constant 2048 : i32
      %mul3A_157 = arith.muli %cond3A_35, %mul3A_156 : i32
      %add3A_158 = arith.constant 0 : i32
      %add3A_159 = arith.addi %mul3A_157, %add3A_158 : i32
      %dma_start3A_160 = tpu.memref_slice %arg6[%rem3A_155] : memref<4x!tpu.dma_semaphore, #tpu.memory_space<semaphore_mem>> -> memref<1x!tpu.dma_semaphore, #tpu.memory_space<semaphore_mem>>
      %dma_start3A_161 = tpu.memref_squeeze %dma_start3A_160 : memref<1x!tpu.dma_semaphore, #tpu.memory_space<semaphore_mem>> -> memref<!tpu.dma_semaphore, #tpu.memory_space<semaphore_mem>>
      %dma_start3A_162 = arith.constant 0 : i32
      %dma_start3A_163 = arith.constant 0 : i32
      %dma_start3A_164 = tpu.memref_slice %arg4[%rem3A_155, %dma_start3A_162, %dma_start3A_163] : memref<4x2048x1024xf32, #tpu.memory_space<vmem>> -> memref<1x512x1024xf32, #tpu.memory_space<vmem>>
      %dma_start3A_165 = tpu.memref_squeeze %dma_start3A_164 : memref<1x512x1024xf32, #tpu.memory_space<vmem>> -> memref<512x1024xf32, #tpu.memory_space<vmem>>
      %dma_start3A_166 = arith.constant 0 : i32
      %dma_start3A_167 = tpu.memref_slice %arg2[%add3A_159, %dma_start3A_166] : memref<100000x1024xf32, #tpu.memory_space<hbm>> -> memref<512x1024xf32, #tpu.memory_space<hbm>>
      tpu.enqueue_dma source(%dma_start3A_167 : memref<512x1024xf32, #tpu.memory_space<hbm>>) target(%dma_start3A_165 : memref<512x1024xf32, #tpu.memory_space<vmem>>) target_semaphore(%dma_start3A_161 : memref<!tpu.dma_semaphore, #tpu.memory_space<semaphore_mem>>)
      %mul3A_168 = arith.constant 2048 : i32
      %mul3A_169 = arith.muli %cond3A_35, %mul3A_168 : i32
      %add3A_170 = arith.constant 512 : i32
      %add3A_171 = arith.addi %mul3A_169, %add3A_170 : i32
      %dma_start3A_172 = tpu.memref_slice %arg6[%rem3A_155] : memref<4x!tpu.dma_semaphore, #tpu.memory_space<semaphore_mem>> -> memref<1x!tpu.dma_semaphore, #tpu.memory_space<semaphore_mem>>
      %dma_start3A_173 = tpu.memref_squeeze %dma_start3A_172 : memref<1x!tpu.dma_semaphore, #tpu.memory_space<semaphore_mem>> -> memref<!tpu.dma_semaphore, #tpu.memory_space<semaphore_mem>>
      %dma_start3A_174 = arith.constant 512 : i32
      %dma_start3A_175 = arith.constant 0 : i32
      %dma_start3A_176 = tpu.memref_slice %arg4[%rem3A_155, %dma_start3A_174, %dma_start3A_175] : memref<4x2048x1024xf32, #tpu.memory_space<vmem>> -> memref<1x512x1024xf32, #tpu.memory_space<vmem>>
      %dma_start3A_177 = tpu.memref_squeeze %dma_start3A_176 : memref<1x512x1024xf32, #tpu.memory_space<vmem>> -> memref<512x1024xf32, #tpu.memory_space<vmem>>
      %dma_start3A_178 = arith.constant 0 : i32
      %dma_start3A_179 = tpu.memref_slice %arg2[%add3A_171, %dma_start3A_178] : memref<100000x1024xf32, #tpu.memory_space<hbm>> -> memref<512x1024xf32, #tpu.memory_space<hbm>>
      tpu.enqueue_dma source(%dma_start3A_179 : memref<512x1024xf32, #tpu.memory_space<hbm>>) target(%dma_start3A_177 : memref<512x1024xf32, #tpu.memory_space<vmem>>) target_semaphore(%dma_start3A_173 : memref<!tpu.dma_semaphore, #tpu.memory_space<semaphore_mem>>)
      %mul3A_180 = arith.constant 2048 : i32
      %mul3A_181 = arith.muli %cond3A_35, %mul3A_180 : i32
      %add3A_182 = arith.constant 1024 : i32
      %add3A_183 = arith.addi %mul3A_181, %add3A_182 : i32
      %dma_start3A_184 = tpu.memref_slice %arg6[%rem3A_155] : memref<4x!tpu.dma_semaphore, #tpu.memory_space<semaphore_mem>> -> memref<1x!tpu.dma_semaphore, #tpu.memory_space<semaphore_mem>>
      %dma_start3A_185 = tpu.memref_squeeze %dma_start3A_184 : memref<1x!tpu.dma_semaphore, #tpu.memory_space<semaphore_mem>> -> memref<!tpu.dma_semaphore, #tpu.memory_space<semaphore_mem>>
      %dma_start3A_186 = arith.constant 1024 : i32
      %dma_start3A_187 = arith.constant 0 : i32
      %dma_start3A_188 = tpu.memref_slice %arg4[%rem3A_155, %dma_start3A_186, %dma_start3A_187] : memref<4x2048x1024xf32, #tpu.memory_space<vmem>> -> memref<1x512x1024xf32, #tpu.memory_space<vmem>>
      %dma_start3A_189 = tpu.memref_squeeze %dma_start3A_188 : memref<1x512x1024xf32, #tpu.memory_space<vmem>> -> memref<512x1024xf32, #tpu.memory_space<vmem>>
      %dma_start3A_190 = arith.constant 0 : i32
      %dma_start3A_191 = tpu.memref_slice %arg2[%add3A_183, %dma_start3A_190] : memref<100000x1024xf32, #tpu.memory_space<hbm>> -> memref<512x1024xf32, #tpu.memory_space<hbm>>
      tpu.enqueue_dma source(%dma_start3A_191 : memref<512x1024xf32, #tpu.memory_space<hbm>>) target(%dma_start3A_189 : memref<512x1024xf32, #tpu.memory_space<vmem>>) target_semaphore(%dma_start3A_185 : memref<!tpu.dma_semaphore, #tpu.memory_space<semaphore_mem>>)
      %mul3A_192 = arith.constant 2048 : i32
      %mul3A_193 = arith.muli %cond3A_35, %mul3A_192 : i32
      %add3A_194 = arith.constant 1536 : i32
      %add3A_195 = arith.addi %mul3A_193, %add3A_194 : i32
      %dma_start3A_196 = tpu.memref_slice %arg6[%rem3A_155] : memref<4x!tpu.dma_semaphore, #tpu.memory_space<semaphore_mem>> -> memref<1x!tpu.dma_semaphore, #tpu.memory_space<semaphore_mem>>
      %dma_start3A_197 = tpu.memref_squeeze %dma_start3A_196 : memref<1x!tpu.dma_semaphore, #tpu.memory_space<semaphore_mem>> -> memref<!tpu.dma_semaphore, #tpu.memory_space<semaphore_mem>>
      %dma_start3A_198 = arith.constant 1536 : i32
      %dma_start3A_199 = arith.constant 0 : i32
      %dma_start3A_200 = tpu.memref_slice %arg4[%rem3A_155, %dma_start3A_198, %dma_start3A_199] : memref<4x2048x1024xf32, #tpu.memory_space<vmem>> -> memref<1x160x1024xf32, #tpu.memory_space<vmem>>
      %dma_start3A_201 = tpu.memref_squeeze %dma_start3A_200 : memref<1x160x1024xf32, #tpu.memory_space<vmem>> -> memref<160x1024xf32, #tpu.memory_space<vmem>>
      %dma_start3A_202 = arith.constant 0 : i32
      %dma_start3A_203 = tpu.memref_slice %arg2[%add3A_195, %dma_start3A_202] : memref<100000x1024xf32, #tpu.memory_space<hbm>> -> memref<160x1024xf32, #tpu.memory_space<hbm>>
      tpu.enqueue_dma source(%dma_start3A_203 : memref<160x1024xf32, #tpu.memory_space<hbm>>) target(%dma_start3A_201 : memref<160x1024xf32, #tpu.memory_space<vmem>>) target_semaphore(%dma_start3A_197 : memref<!tpu.dma_semaphore, #tpu.memory_space<semaphore_mem>>)
    } else {
    }
    %scan3A = arith.constant 0 : i32
    %scan3A_38 = arith.constant 48 : i32
    %scan3A_39 = arith.addi %scan3A, %scan3A_38 : i32
    %scan3A_40 = arith.constant 4 : i32
    scf.for %scan3A_154 = %scan3A to %scan3A_39 step %scan3A_40  : i32 {
      %add3A_155 = arith.constant 4 : i32
      %add3A_156 = arith.addi %scan3A_154, %add3A_155 : i32
      %sub3A = arith.constant 1 : i32
      %sub3A_157 = arith.subi %add3A_156, %sub3A : i32
      %lt3A_158 = arith.constant 48 : i32
      %lt3A_159 = arith.cmpi slt, %sub3A_157, %lt3A_158 : i32
      %convert_element_type3A_160 = arith.extui %lt3A_159 : i1 to i32
      %cond3A_161 = arith.constant 0 : i32
      %cond3A_162 = arith.cmpi ne, %convert_element_type3A_160, %cond3A_161 : i32
      scf.if %cond3A_162 {
        %rem3A_431 = arith.constant 4 : i32
        %rem3A_432 = arith.remsi %sub3A_157, %rem3A_431 : i32
        %mul3A_433 = arith.constant 2048 : i32
        %mul3A_434 = arith.muli %sub3A_157, %mul3A_433 : i32
        %add3A_435 = arith.constant 0 : i32
        %add3A_436 = arith.addi %mul3A_434, %add3A_435 : i32
        %dma_start3A_437 = tpu.memref_slice %arg6[%rem3A_432] : memref<4x!tpu.dma_semaphore, #tpu.memory_space<semaphore_mem>> -> memref<1x!tpu.dma_semaphore, #tpu.memory_space<semaphore_mem>>
        %dma_start3A_438 = tpu.memref_squeeze %dma_start3A_437 : memref<1x!tpu.dma_semaphore, #tpu.memory_space<semaphore_mem>> -> memref<!tpu.dma_semaphore, #tpu.memory_space<semaphore_mem>>
        %dma_start3A_439 = arith.constant 0 : i32
        %dma_start3A_440 = arith.constant 0 : i32
        %dma_start3A_441 = tpu.memref_slice %arg4[%rem3A_432, %dma_start3A_439, %dma_start3A_440] : memref<4x2048x1024xf32, #tpu.memory_space<vmem>> -> memref<1x512x1024xf32, #tpu.memory_space<vmem>>
        %dma_start3A_442 = tpu.memref_squeeze %dma_start3A_441 : memref<1x512x1024xf32, #tpu.memory_space<vmem>> -> memref<512x1024xf32, #tpu.memory_space<vmem>>
        %dma_start3A_443 = arith.constant 0 : i32
        %dma_start3A_444 = tpu.memref_slice %arg2[%add3A_436, %dma_start3A_443] : memref<100000x1024xf32, #tpu.memory_space<hbm>> -> memref<512x1024xf32, #tpu.memory_space<hbm>>
        tpu.enqueue_dma source(%dma_start3A_444 : memref<512x1024xf32, #tpu.memory_space<hbm>>) target(%dma_start3A_442 : memref<512x1024xf32, #tpu.memory_space<vmem>>) target_semaphore(%dma_start3A_438 : memref<!tpu.dma_semaphore, #tpu.memory_space<semaphore_mem>>)
        %mul3A_445 = arith.constant 2048 : i32
        %mul3A_446 = arith.muli %sub3A_157, %mul3A_445 : i32
        %add3A_447 = arith.constant 512 : i32
        %add3A_448 = arith.addi %mul3A_446, %add3A_447 : i32
        %dma_start3A_449 = tpu.memref_slice %arg6[%rem3A_432] : memref<4x!tpu.dma_semaphore, #tpu.memory_space<semaphore_mem>> -> memref<1x!tpu.dma_semaphore, #tpu.memory_space<semaphore_mem>>
        %dma_start3A_450 = tpu.memref_squeeze %dma_start3A_449 : memref<1x!tpu.dma_semaphore, #tpu.memory_space<semaphore_mem>> -> memref<!tpu.dma_semaphore, #tpu.memory_space<semaphore_mem>>
        %dma_start3A_451 = arith.constant 512 : i32
        %dma_start3A_452 = arith.constant 0 : i32
        %dma_start3A_453 = tpu.memref_slice %arg4[%rem3A_432, %dma_start3A_451, %dma_start3A_452] : memref<4x2048x1024xf32, #tpu.memory_space<vmem>> -> memref<1x512x1024xf32, #tpu.memory_space<vmem>>
        %dma_start3A_454 = tpu.memref_squeeze %dma_start3A_453 : memref<1x512x1024xf32, #tpu.memory_space<vmem>> -> memref<512x1024xf32, #tpu.memory_space<vmem>>
        %dma_start3A_455 = arith.constant 0 : i32
        %dma_start3A_456 = tpu.memref_slice %arg2[%add3A_448, %dma_start3A_455] : memref<100000x1024xf32, #tpu.memory_space<hbm>> -> memref<512x1024xf32, #tpu.memory_space<hbm>>
        tpu.enqueue_dma source(%dma_start3A_456 : memref<512x1024xf32, #tpu.memory_space<hbm>>) target(%dma_start3A_454 : memref<512x1024xf32, #tpu.memory_space<vmem>>) target_semaphore(%dma_start3A_450 : memref<!tpu.dma_semaphore, #tpu.memory_space<semaphore_mem>>)
        %mul3A_457 = arith.constant 2048 : i32
        %mul3A_458 = arith.muli %sub3A_157, %mul3A_457 : i32
        %add3A_459 = arith.constant 1024 : i32
        %add3A_460 = arith.addi %mul3A_458, %add3A_459 : i32
        %dma_start3A_461 = tpu.memref_slice %arg6[%rem3A_432] : memref<4x!tpu.dma_semaphore, #tpu.memory_space<semaphore_mem>> -> memref<1x!tpu.dma_semaphore, #tpu.memory_space<semaphore_mem>>
        %dma_start3A_462 = tpu.memref_squeeze %dma_start3A_461 : memref<1x!tpu.dma_semaphore, #tpu.memory_space<semaphore_mem>> -> memref<!tpu.dma_semaphore, #tpu.memory_space<semaphore_mem>>
        %dma_start3A_463 = arith.constant 1024 : i32
        %dma_start3A_464 = arith.constant 0 : i32
        %dma_start3A_465 = tpu.memref_slice %arg4[%rem3A_432, %dma_start3A_463, %dma_start3A_464] : memref<4x2048x1024xf32, #tpu.memory_space<vmem>> -> memref<1x512x1024xf32, #tpu.memory_space<vmem>>
        %dma_start3A_466 = tpu.memref_squeeze %dma_start3A_465 : memref<1x512x1024xf32, #tpu.memory_space<vmem>> -> memref<512x1024xf32, #tpu.memory_space<vmem>>
        %dma_start3A_467 = arith.constant 0 : i32
        %dma_start3A_468 = tpu.memref_slice %arg2[%add3A_460, %dma_start3A_467] : memref<100000x1024xf32, #tpu.memory_space<hbm>> -> memref<512x1024xf32, #tpu.memory_space<hbm>>
        tpu.enqueue_dma source(%dma_start3A_468 : memref<512x1024xf32, #tpu.memory_space<hbm>>) target(%dma_start3A_466 : memref<512x1024xf32, #tpu.memory_space<vmem>>) target_semaphore(%dma_start3A_462 : memref<!tpu.dma_semaphore, #tpu.memory_space<semaphore_mem>>)
        %mul3A_469 = arith.constant 2048 : i32
        %mul3A_470 = arith.muli %sub3A_157, %mul3A_469 : i32
        %add3A_471 = arith.constant 1536 : i32
        %add3A_472 = arith.addi %mul3A_470, %add3A_471 : i32
        %dma_start3A_473 = tpu.memref_slice %arg6[%rem3A_432] : memref<4x!tpu.dma_semaphore, #tpu.memory_space<semaphore_mem>> -> memref<1x!tpu.dma_semaphore, #tpu.memory_space<semaphore_mem>>
        %dma_start3A_474 = tpu.memref_squeeze %dma_start3A_473 : memref<1x!tpu.dma_semaphore, #tpu.memory_space<semaphore_mem>> -> memref<!tpu.dma_semaphore, #tpu.memory_space<semaphore_mem>>
        %dma_start3A_475 = arith.constant 1536 : i32
        %dma_start3A_476 = arith.constant 0 : i32
        %dma_start3A_477 = tpu.memref_slice %arg4[%rem3A_432, %dma_start3A_475, %dma_start3A_476] : memref<4x2048x1024xf32, #tpu.memory_space<vmem>> -> memref<1x512x1024xf32, #tpu.memory_space<vmem>>
        %dma_start3A_478 = tpu.memref_squeeze %dma_start3A_477 : memref<1x512x1024xf32, #tpu.memory_space<vmem>> -> memref<512x1024xf32, #tpu.memory_space<vmem>>
        %dma_start3A_479 = arith.constant 0 : i32
        %dma_start3A_480 = tpu.memref_slice %arg2[%add3A_472, %dma_start3A_479] : memref<100000x1024xf32, #tpu.memory_space<hbm>> -> memref<512x1024xf32, #tpu.memory_space<hbm>>
        tpu.enqueue_dma source(%dma_start3A_480 : memref<512x1024xf32, #tpu.memory_space<hbm>>) target(%dma_start3A_478 : memref<512x1024xf32, #tpu.memory_space<vmem>>) target_semaphore(%dma_start3A_474 : memref<!tpu.dma_semaphore, #tpu.memory_space<semaphore_mem>>)
      } else {
      }
      %eq3A_163 = arith.constant 48 : i32
      %eq3A_164 = arith.cmpi eq, %sub3A_157, %eq3A_163 : i32
      %convert_element_type3A_165 = arith.extui %eq3A_164 : i1 to i32
      %cond3A_166 = arith.constant 0 : i32
      %cond3A_167 = arith.cmpi ne, %convert_element_type3A_165, %cond3A_166 : i32
      scf.if %cond3A_167 {
        %rem3A_431 = arith.constant 4 : i32
        %rem3A_432 = arith.remsi %sub3A_157, %rem3A_431 : i32
        %mul3A_433 = arith.constant 2048 : i32
        %mul3A_434 = arith.muli %sub3A_157, %mul3A_433 : i32
        %add3A_435 = arith.constant 0 : i32
        %add3A_436 = arith.addi %mul3A_434, %add3A_435 : i32
        %dma_start3A_437 = tpu.memref_slice %arg6[%rem3A_432] : memref<4x!tpu.dma_semaphore, #tpu.memory_space<semaphore_mem>> -> memref<1x!tpu.dma_semaphore, #tpu.memory_space<semaphore_mem>>
        %dma_start3A_438 = tpu.memref_squeeze %dma_start3A_437 : memref<1x!tpu.dma_semaphore, #tpu.memory_space<semaphore_mem>> -> memref<!tpu.dma_semaphore, #tpu.memory_space<semaphore_mem>>
        %dma_start3A_439 = arith.constant 0 : i32
        %dma_start3A_440 = arith.constant 0 : i32
        %dma_start3A_441 = tpu.memref_slice %arg4[%rem3A_432, %dma_start3A_439, %dma_start3A_440] : memref<4x2048x1024xf32, #tpu.memory_space<vmem>> -> memref<1x512x1024xf32, #tpu.memory_space<vmem>>
        %dma_start3A_442 = tpu.memref_squeeze %dma_start3A_441 : memref<1x512x1024xf32, #tpu.memory_space<vmem>> -> memref<512x1024xf32, #tpu.memory_space<vmem>>
        %dma_start3A_443 = arith.constant 0 : i32
        %dma_start3A_444 = tpu.memref_slice %arg2[%add3A_436, %dma_start3A_443] : memref<100000x1024xf32, #tpu.memory_space<hbm>> -> memref<512x1024xf32, #tpu.memory_space<hbm>>
        tpu.enqueue_dma source(%dma_start3A_444 : memref<512x1024xf32, #tpu.memory_space<hbm>>) target(%dma_start3A_442 : memref<512x1024xf32, #tpu.memory_space<vmem>>) target_semaphore(%dma_start3A_438 : memref<!tpu.dma_semaphore, #tpu.memory_space<semaphore_mem>>)
        %mul3A_445 = arith.constant 2048 : i32
        %mul3A_446 = arith.muli %sub3A_157, %mul3A_445 : i32
        %add3A_447 = arith.constant 512 : i32
        %add3A_448 = arith.addi %mul3A_446, %add3A_447 : i32
        %dma_start3A_449 = tpu.memref_slice %arg6[%rem3A_432] : memref<4x!tpu.dma_semaphore, #tpu.memory_space<semaphore_mem>> -> memref<1x!tpu.dma_semaphore, #tpu.memory_space<semaphore_mem>>
        %dma_start3A_450 = tpu.memref_squeeze %dma_start3A_449 : memref<1x!tpu.dma_semaphore, #tpu.memory_space<semaphore_mem>> -> memref<!tpu.dma_semaphore, #tpu.memory_space<semaphore_mem>>
        %dma_start3A_451 = arith.constant 512 : i32
        %dma_start3A_452 = arith.constant 0 : i32
        %dma_start3A_453 = tpu.memref_slice %arg4[%rem3A_432, %dma_start3A_451, %dma_start3A_452] : memref<4x2048x1024xf32, #tpu.memory_space<vmem>> -> memref<1x512x1024xf32, #tpu.memory_space<vmem>>
        %dma_start3A_454 = tpu.memref_squeeze %dma_start3A_453 : memref<1x512x1024xf32, #tpu.memory_space<vmem>> -> memref<512x1024xf32, #tpu.memory_space<vmem>>
        %dma_start3A_455 = arith.constant 0 : i32
        %dma_start3A_456 = tpu.memref_slice %arg2[%add3A_448, %dma_start3A_455] : memref<100000x1024xf32, #tpu.memory_space<hbm>> -> memref<512x1024xf32, #tpu.memory_space<hbm>>
        tpu.enqueue_dma source(%dma_start3A_456 : memref<512x1024xf32, #tpu.memory_space<hbm>>) target(%dma_start3A_454 : memref<512x1024xf32, #tpu.memory_space<vmem>>) target_semaphore(%dma_start3A_450 : memref<!tpu.dma_semaphore, #tpu.memory_space<semaphore_mem>>)
        %mul3A_457 = arith.constant 2048 : i32
        %mul3A_458 = arith.muli %sub3A_157, %mul3A_457 : i32
        %add3A_459 = arith.constant 1024 : i32
        %add3A_460 = arith.addi %mul3A_458, %add3A_459 : i32
        %dma_start3A_461 = tpu.memref_slice %arg6[%rem3A_432] : memref<4x!tpu.dma_semaphore, #tpu.memory_space<semaphore_mem>> -> memref<1x!tpu.dma_semaphore, #tpu.memory_space<semaphore_mem>>
        %dma_start3A_462 = tpu.memref_squeeze %dma_start3A_461 : memref<1x!tpu.dma_semaphore, #tpu.memory_space<semaphore_mem>> -> memref<!tpu.dma_semaphore, #tpu.memory_space<semaphore_mem>>
        %dma_start3A_463 = arith.constant 1024 : i32
        %dma_start3A_464 = arith.constant 0 : i32
        %dma_start3A_465 = tpu.memref_slice %arg4[%rem3A_432, %dma_start3A_463, %dma_start3A_464] : memref<4x2048x1024xf32, #tpu.memory_space<vmem>> -> memref<1x512x1024xf32, #tpu.memory_space<vmem>>
        %dma_start3A_466 = tpu.memref_squeeze %dma_start3A_465 : memref<1x512x1024xf32, #tpu.memory_space<vmem>> -> memref<512x1024xf32, #tpu.memory_space<vmem>>
        %dma_start3A_467 = arith.constant 0 : i32
        %dma_start3A_468 = tpu.memref_slice %arg2[%add3A_460, %dma_start3A_467] : memref<100000x1024xf32, #tpu.memory_space<hbm>> -> memref<512x1024xf32, #tpu.memory_space<hbm>>
        tpu.enqueue_dma source(%dma_start3A_468 : memref<512x1024xf32, #tpu.memory_space<hbm>>) target(%dma_start3A_466 : memref<512x1024xf32, #tpu.memory_space<vmem>>) target_semaphore(%dma_start3A_462 : memref<!tpu.dma_semaphore, #tpu.memory_space<semaphore_mem>>)
        %mul3A_469 = arith.constant 2048 : i32
        %mul3A_470 = arith.muli %sub3A_157, %mul3A_469 : i32
        %add3A_471 = arith.constant 1536 : i32
        %add3A_472 = arith.addi %mul3A_470, %add3A_471 : i32
        %dma_start3A_473 = tpu.memref_slice %arg6[%rem3A_432] : memref<4x!tpu.dma_semaphore, #tpu.memory_space<semaphore_mem>> -> memref<1x!tpu.dma_semaphore, #tpu.memory_space<semaphore_mem>>
        %dma_start3A_474 = tpu.memref_squeeze %dma_start3A_473 : memref<1x!tpu.dma_semaphore, #tpu.memory_space<semaphore_mem>> -> memref<!tpu.dma_semaphore, #tpu.memory_space<semaphore_mem>>
        %dma_start3A_475 = arith.constant 1536 : i32
        %dma_start3A_476 = arith.constant 0 : i32
        %dma_start3A_477 = tpu.memref_slice %arg4[%rem3A_432, %dma_start3A_475, %dma_start3A_476] : memref<4x2048x1024xf32, #tpu.memory_space<vmem>> -> memref<1x160x1024xf32, #tpu.memory_space<vmem>>
        %dma_start3A_478 = tpu.memref_squeeze %dma_start3A_477 : memref<1x160x1024xf32, #tpu.memory_space<vmem>> -> memref<160x1024xf32, #tpu.memory_space<vmem>>
        %dma_start3A_479 = arith.constant 0 : i32
        %dma_start3A_480 = tpu.memref_slice %arg2[%add3A_472, %dma_start3A_479] : memref<100000x1024xf32, #tpu.memory_space<hbm>> -> memref<160x1024xf32, #tpu.memory_space<hbm>>
        tpu.enqueue_dma source(%dma_start3A_480 : memref<160x1024xf32, #tpu.memory_space<hbm>>) target(%dma_start3A_478 : memref<160x1024xf32, #tpu.memory_space<vmem>>) target_semaphore(%dma_start3A_474 : memref<!tpu.dma_semaphore, #tpu.memory_space<semaphore_mem>>)
      } else {
      }
      %rem3A_168 = arith.constant 4 : i32
      %rem3A_169 = arith.remsi %scan3A_154, %rem3A_168 : i32
      %rem3A_170 = arith.constant 4 : i32
      %rem3A_171 = arith.remsi %scan3A_154, %rem3A_170 : i32
      %mul3A_172 = arith.constant 2048 : i32
      %mul3A_173 = arith.muli %scan3A_154, %mul3A_172 : i32
      %dma_wait3A_174 = tpu.memref_slice %arg6[%rem3A_171] : memref<4x!tpu.dma_semaphore, #tpu.memory_space<semaphore_mem>> -> memref<1x!tpu.dma_semaphore, #tpu.memory_space<semaphore_mem>>
      %dma_wait3A_175 = tpu.memref_squeeze %dma_wait3A_174 : memref<1x!tpu.dma_semaphore, #tpu.memory_space<semaphore_mem>> -> memref<!tpu.dma_semaphore, #tpu.memory_space<semaphore_mem>>
      %dma_wait3A_176 = arith.constant 0 : i32
      %dma_wait3A_177 = arith.constant 0 : i32
      %dma_wait3A_178 = tpu.memref_slice %arg4[%rem3A_171, %dma_wait3A_176, %dma_wait3A_177] : memref<4x2048x1024xf32, #tpu.memory_space<vmem>> -> memref<1x2048x1024xf32, #tpu.memory_space<vmem>>
      %dma_wait3A_179 = tpu.memref_squeeze %dma_wait3A_178 : memref<1x2048x1024xf32, #tpu.memory_space<vmem>> -> memref<2048x1024xf32, #tpu.memory_space<vmem>>
      %dma_wait3A_180 = arith.constant 0 : i32
      %dma_wait3A_181 = tpu.memref_slice %arg2[%mul3A_173, %dma_wait3A_180] : memref<100000x1024xf32, #tpu.memory_space<hbm>> -> memref<2048x1024xf32, #tpu.memory_space<hbm>>
      tpu.wait_dma2 semaphore(%dma_wait3A_175 : memref<!tpu.dma_semaphore, #tpu.memory_space<semaphore_mem>>) src(%dma_wait3A_181 : memref<2048x1024xf32, #tpu.memory_space<hbm>>) dst(%dma_wait3A_179 : memref<2048x1024xf32, #tpu.memory_space<vmem>>)
      %get3A_182 = arith.index_cast %rem3A_169 : i32 to index
      %get3A_183 = arith.constant 0 : index
      %get3A_184 = arith.constant 0 : index
      %get3A_185 = vector.load %arg4[%get3A_182, %get3A_183, %get3A_184] : memref<4x2048x1024xf32, #tpu.memory_space<vmem>>, vector<1x2048x1024xf32>
      %get3A_186 = vector.shape_cast %get3A_185 : vector<1x2048x1024xf32> to vector<2048x1024xf32>
      %get3A_187 = arith.constant 0 : index
      %get3A_188 = arith.constant 0 : index
      %get3A_189 = vector.load %arg0[%get3A_187, %get3A_188] : memref<128x1024xf32, #tpu.memory_space<vmem>>, vector<128x1024xf32>
      %dot_general3A_190 = arith.constant dense<0.000000e+00> : vector<2048x128xf32>
      %dot_general3A_191 = tpu.matmul %get3A_186, %get3A_189, %dot_general3A_190 {dimension_numbers = #tpu.dot_dimension_numbers<[1], [1], [0], [0], [0, 0, 1, 0], [], []>, transpose_lhs_hint = false} : vector<2048x1024xf32>, vector<128x1024xf32>, vector<2048x128xf32> -> vector<2048x128xf32>
      %get3A_192 = arith.index_cast %scan3A_154 : i32 to index
      %get3A_193 = arith.constant 0 : index
      %get3A_194 = vector.load %arg1[%get3A_192, %get3A_193] : memref<49x2048xf32, #tpu.memory_space<vmem>>, vector<1x2048xf32>
      %get3A_195 = vector.shape_cast %get3A_194 : vector<1x2048xf32> to vector<2048xf32>
      %reshape3A_196 = vector.shape_cast %get3A_195 : vector<2048xf32> to vector<2048x1xf32>
      %add3A_197 = vector.broadcast %reshape3A_196 : vector<2048x1xf32> to vector<2048x128xf32>
      %add3A_198 = arith.addf %dot_general3A_191, %add3A_197 : vector<2048x128xf32>
      %ge3A = arith.constant 4 : i32
      %ge3A_199 = arith.cmpi sge, %scan3A_154, %ge3A : i32
      %convert_element_type3A_200 = arith.extui %ge3A_199 : i1 to i32
      %cond3A_201 = arith.constant 0 : i32
      %cond3A_202 = arith.cmpi ne, %convert_element_type3A_200, %cond3A_201 : i32
      scf.if %cond3A_202 {
        %sub3A_431 = arith.constant 4 : i32
        %sub3A_432 = arith.subi %scan3A_154, %sub3A_431 : i32
        %rem3A_433 = arith.constant 4 : i32
        %rem3A_434 = arith.remsi %sub3A_432, %rem3A_433 : i32
        %mul3A_435 = arith.constant 2048 : i32
        %mul3A_436 = arith.muli %sub3A_432, %mul3A_435 : i32
        %dma_wait3A_437 = tpu.memref_slice %arg7[%rem3A_434] : memref<4x!tpu.dma_semaphore, #tpu.memory_space<semaphore_mem>> -> memref<1x!tpu.dma_semaphore, #tpu.memory_space<semaphore_mem>>
        %dma_wait3A_438 = tpu.memref_squeeze %dma_wait3A_437 : memref<1x!tpu.dma_semaphore, #tpu.memory_space<semaphore_mem>> -> memref<!tpu.dma_semaphore, #tpu.memory_space<semaphore_mem>>
        %dma_wait3A_439 = arith.constant 0 : i32
        %dma_wait3A_440 = tpu.memref_slice %arg3[%mul3A_436, %dma_wait3A_439] : memref<100000x128xf32, #tpu.memory_space<hbm>> -> memref<2048x128xf32, #tpu.memory_space<hbm>>
        %dma_wait3A_441 = arith.constant 0 : i32
        %dma_wait3A_442 = arith.constant 0 : i32
        %dma_wait3A_443 = tpu.memref_slice %arg5[%rem3A_434, %dma_wait3A_441, %dma_wait3A_442] : memref<4x2048x128xf32, #tpu.memory_space<vmem>> -> memref<1x2048x128xf32, #tpu.memory_space<vmem>>
        %dma_wait3A_444 = tpu.memref_squeeze %dma_wait3A_443 : memref<1x2048x128xf32, #tpu.memory_space<vmem>> -> memref<2048x128xf32, #tpu.memory_space<vmem>>
        tpu.wait_dma2 semaphore(%dma_wait3A_438 : memref<!tpu.dma_semaphore, #tpu.memory_space<semaphore_mem>>) src(%dma_wait3A_444 : memref<2048x128xf32, #tpu.memory_space<vmem>>) dst(%dma_wait3A_440 : memref<2048x128xf32, #tpu.memory_space<hbm>>)
      } else {
      }
      %swap3A_203 = arith.index_cast %rem3A_169 : i32 to index
      %swap3A_204 = arith.constant 0 : index
      %swap3A_205 = arith.constant 0 : index
      %swap3A_206 = vector.load %arg5[%swap3A_203, %swap3A_204, %swap3A_205] : memref<4x2048x128xf32, #tpu.memory_space<vmem>>, vector<1x2048x128xf32>
      %swap3A_207 = vector.shape_cast %swap3A_206 : vector<1x2048x128xf32> to vector<2048x128xf32>
      %swap3A_208 = vector.shape_cast %add3A_198 : vector<2048x128xf32> to vector<1x2048x128xf32>
      tpu.vector_store %arg5[%swap3A_203, %swap3A_204, %swap3A_205], %swap3A_208 {strides = array<i32>} : memref<4x2048x128xf32, #tpu.memory_space<vmem>>, vector<1x2048x128xf32>,
      %rem3A_209 = arith.constant 4 : i32
      %rem3A_210 = arith.remsi %scan3A_154, %rem3A_209 : i32
      %mul3A_211 = arith.constant 2048 : i32
      %mul3A_212 = arith.muli %scan3A_154, %mul3A_211 : i32
      %dma_start3A_213 = tpu.memref_slice %arg7[%rem3A_210] : memref<4x!tpu.dma_semaphore, #tpu.memory_space<semaphore_mem>> -> memref<1x!tpu.dma_semaphore, #tpu.memory_space<semaphore_mem>>
      %dma_start3A_214 = tpu.memref_squeeze %dma_start3A_213 : memref<1x!tpu.dma_semaphore, #tpu.memory_space<semaphore_mem>> -> memref<!tpu.dma_semaphore, #tpu.memory_space<semaphore_mem>>
      %dma_start3A_215 = arith.constant 0 : i32
      %dma_start3A_216 = tpu.memref_slice %arg3[%mul3A_212, %dma_start3A_215] : memref<100000x128xf32, #tpu.memory_space<hbm>> -> memref<2048x128xf32, #tpu.memory_space<hbm>>
      %dma_start3A_217 = arith.constant 0 : i32
      %dma_start3A_218 = arith.constant 0 : i32
      %dma_start3A_219 = tpu.memref_slice %arg5[%rem3A_210, %dma_start3A_217, %dma_start3A_218] : memref<4x2048x128xf32, #tpu.memory_space<vmem>> -> memref<1x2048x128xf32, #tpu.memory_space<vmem>>
      %dma_start3A_220 = tpu.memref_squeeze %dma_start3A_219 : memref<1x2048x128xf32, #tpu.memory_space<vmem>> -> memref<2048x128xf32, #tpu.memory_space<vmem>>
      tpu.enqueue_dma source(%dma_start3A_220 : memref<2048x128xf32, #tpu.memory_space<vmem>>) target(%dma_start3A_216 : memref<2048x128xf32, #tpu.memory_space<hbm>>) target_semaphore(%dma_start3A_214 : memref<!tpu.dma_semaphore, #tpu.memory_space<semaphore_mem>>)
      %scan3A_221 = arith.constant 1 : i32
      %scan3A_222 = arith.addi %scan3A_154, %scan3A_221 : i32
      %add3A_223 = arith.constant 4 : i32
      %add3A_224 = arith.addi %scan3A_222, %add3A_223 : i32
      %sub3A_225 = arith.constant 1 : i32
      %sub3A_226 = arith.subi %add3A_224, %sub3A_225 : i32
      %lt3A_227 = arith.constant 48 : i32
      %lt3A_228 = arith.cmpi slt, %sub3A_226, %lt3A_227 : i32
      %convert_element_type3A_229 = arith.extui %lt3A_228 : i1 to i32
      %cond3A_230 = arith.constant 0 : i32
      %cond3A_231 = arith.cmpi ne, %convert_element_type3A_229, %cond3A_230 : i32
      scf.if %cond3A_231 {
        %rem3A_431 = arith.constant 4 : i32
        %rem3A_432 = arith.remsi %sub3A_226, %rem3A_431 : i32
        %mul3A_433 = arith.constant 2048 : i32
        %mul3A_434 = arith.muli %sub3A_226, %mul3A_433 : i32
        %add3A_435 = arith.constant 0 : i32
        %add3A_436 = arith.addi %mul3A_434, %add3A_435 : i32
        %dma_start3A_437 = tpu.memref_slice %arg6[%rem3A_432] : memref<4x!tpu.dma_semaphore, #tpu.memory_space<semaphore_mem>> -> memref<1x!tpu.dma_semaphore, #tpu.memory_space<semaphore_mem>>
        %dma_start3A_438 = tpu.memref_squeeze %dma_start3A_437 : memref<1x!tpu.dma_semaphore, #tpu.memory_space<semaphore_mem>> -> memref<!tpu.dma_semaphore, #tpu.memory_space<semaphore_mem>>
        %dma_start3A_439 = arith.constant 0 : i32
        %dma_start3A_440 = arith.constant 0 : i32
        %dma_start3A_441 = tpu.memref_slice %arg4[%rem3A_432, %dma_start3A_439, %dma_start3A_440] : memref<4x2048x1024xf32, #tpu.memory_space<vmem>> -> memref<1x512x1024xf32, #tpu.memory_space<vmem>>
        %dma_start3A_442 = tpu.memref_squeeze %dma_start3A_441 : memref<1x512x1024xf32, #tpu.memory_space<vmem>> -> memref<512x1024xf32, #tpu.memory_space<vmem>>
        %dma_start3A_443 = arith.constant 0 : i32
        %dma_start3A_444 = tpu.memref_slice %arg2[%add3A_436, %dma_start3A_443] : memref<100000x1024xf32, #tpu.memory_space<hbm>> -> memref<512x1024xf32, #tpu.memory_space<hbm>>
        tpu.enqueue_dma source(%dma_start3A_444 : memref<512x1024xf32, #tpu.memory_space<hbm>>) target(%dma_start3A_442 : memref<512x1024xf32, #tpu.memory_space<vmem>>) target_semaphore(%dma_start3A_438 : memref<!tpu.dma_semaphore, #tpu.memory_space<semaphore_mem>>)
        %mul3A_445 = arith.constant 2048 : i32
        %mul3A_446 = arith.muli %sub3A_226, %mul3A_445 : i32
        %add3A_447 = arith.constant 512 : i32
        %add3A_448 = arith.addi %mul3A_446, %add3A_447 : i32
        %dma_start3A_449 = tpu.memref_slice %arg6[%rem3A_432] : memref<4x!tpu.dma_semaphore, #tpu.memory_space<semaphore_mem>> -> memref<1x!tpu.dma_semaphore, #tpu.memory_space<semaphore_mem>>
        %dma_start3A_450 = tpu.memref_squeeze %dma_start3A_449 : memref<1x!tpu.dma_semaphore, #tpu.memory_space<semaphore_mem>> -> memref<!tpu.dma_semaphore, #tpu.memory_space<semaphore_mem>>
        %dma_start3A_451 = arith.constant 512 : i32
        %dma_start3A_452 = arith.constant 0 : i32
        %dma_start3A_453 = tpu.memref_slice %arg4[%rem3A_432, %dma_start3A_451, %dma_start3A_452] : memref<4x2048x1024xf32, #tpu.memory_space<vmem>> -> memref<1x512x1024xf32, #tpu.memory_space<vmem>>
        %dma_start3A_454 = tpu.memref_squeeze %dma_start3A_453 : memref<1x512x1024xf32, #tpu.memory_space<vmem>> -> memref<512x1024xf32, #tpu.memory_space<vmem>>
        %dma_start3A_455 = arith.constant 0 : i32
        %dma_start3A_456 = tpu.memref_slice %arg2[%add3A_448, %dma_start3A_455] : memref<100000x1024xf32, #tpu.memory_space<hbm>> -> memref<512x1024xf32, #tpu.memory_space<hbm>>
        tpu.enqueue_dma source(%dma_start3A_456 : memref<512x1024xf32, #tpu.memory_space<hbm>>) target(%dma_start3A_454 : memref<512x1024xf32, #tpu.memory_space<vmem>>) target_semaphore(%dma_start3A_450 : memref<!tpu.dma_semaphore, #tpu.memory_space<semaphore_mem>>)
        %mul3A_457 = arith.constant 2048 : i32
        %mul3A_458 = arith.muli %sub3A_226, %mul3A_457 : i32
        %add3A_459 = arith.constant 1024 : i32
        %add3A_460 = arith.addi %mul3A_458, %add3A_459 : i32
        %dma_start3A_461 = tpu.memref_slice %arg6[%rem3A_432] : memref<4x!tpu.dma_semaphore, #tpu.memory_space<semaphore_mem>> -> memref<1x!tpu.dma_semaphore, #tpu.memory_space<semaphore_mem>>
        %dma_start3A_462 = tpu.memref_squeeze %dma_start3A_461 : memref<1x!tpu.dma_semaphore, #tpu.memory_space<semaphore_mem>> -> memref<!tpu.dma_semaphore, #tpu.memory_space<semaphore_mem>>
        %dma_start3A_463 = arith.constant 1024 : i32
        %dma_start3A_464 = arith.constant 0 : i32
        %dma_start3A_465 = tpu.memref_slice %arg4[%rem3A_432, %dma_start3A_463, %dma_start3A_464] : memref<4x2048x1024xf32, #tpu.memory_space<vmem>> -> memref<1x512x1024xf32, #tpu.memory_space<vmem>>
        %dma_start3A_466 = tpu.memref_squeeze %dma_start3A_465 : memref<1x512x1024xf32, #tpu.memory_space<vmem>> -> memref<512x1024xf32, #tpu.memory_space<vmem>>
        %dma_start3A_467 = arith.constant 0 : i32
        %dma_start3A_468 = tpu.memref_slice %arg2[%add3A_460, %dma_start3A_467] : memref<100000x1024xf32, #tpu.memory_space<hbm>> -> memref<512x1024xf32, #tpu.memory_space<hbm>>
        tpu.enqueue_dma source(%dma_start3A_468 : memref<512x1024xf32, #tpu.memory_space<hbm>>) target(%dma_start3A_466 : memref<512x1024xf32, #tpu.memory_space<vmem>>) target_semaphore(%dma_start3A_462 : memref<!tpu.dma_semaphore, #tpu.memory_space<semaphore_mem>>)
        %mul3A_469 = arith.constant 2048 : i32
        %mul3A_470 = arith.muli %sub3A_226, %mul3A_469 : i32
        %add3A_471 = arith.constant 1536 : i32
        %add3A_472 = arith.addi %mul3A_470, %add3A_471 : i32
        %dma_start3A_473 = tpu.memref_slice %arg6[%rem3A_432] : memref<4x!tpu.dma_semaphore, #tpu.memory_space<semaphore_mem>> -> memref<1x!tpu.dma_semaphore, #tpu.memory_space<semaphore_mem>>
        %dma_start3A_474 = tpu.memref_squeeze %dma_start3A_473 : memref<1x!tpu.dma_semaphore, #tpu.memory_space<semaphore_mem>> -> memref<!tpu.dma_semaphore, #tpu.memory_space<semaphore_mem>>
        %dma_start3A_475 = arith.constant 1536 : i32
        %dma_start3A_476 = arith.constant 0 : i32
        %dma_start3A_477 = tpu.memref_slice %arg4[%rem3A_432, %dma_start3A_475, %dma_start3A_476] : memref<4x2048x1024xf32, #tpu.memory_space<vmem>> -> memref<1x512x1024xf32, #tpu.memory_space<vmem>>
        %dma_start3A_478 = tpu.memref_squeeze %dma_start3A_477 : memref<1x512x1024xf32, #tpu.memory_space<vmem>> -> memref<512x1024xf32, #tpu.memory_space<vmem>>
        %dma_start3A_479 = arith.constant 0 : i32
        %dma_start3A_480 = tpu.memref_slice %arg2[%add3A_472, %dma_start3A_479] : memref<100000x1024xf32, #tpu.memory_space<hbm>> -> memref<512x1024xf32, #tpu.memory_space<hbm>>
        tpu.enqueue_dma source(%dma_start3A_480 : memref<512x1024xf32, #tpu.memory_space<hbm>>) target(%dma_start3A_478 : memref<512x1024xf32, #tpu.memory_space<vmem>>) target_semaphore(%dma_start3A_474 : memref<!tpu.dma_semaphore, #tpu.memory_space<semaphore_mem>>)
      } else {
      }
      %eq3A_232 = arith.constant 48 : i32
      %eq3A_233 = arith.cmpi eq, %sub3A_226, %eq3A_232 : i32
      %convert_element_type3A_234 = arith.extui %eq3A_233 : i1 to i32
      %cond3A_235 = arith.constant 0 : i32
      %cond3A_236 = arith.cmpi ne, %convert_element_type3A_234, %cond3A_235 : i32
      scf.if %cond3A_236 {
        %rem3A_431 = arith.constant 4 : i32
        %rem3A_432 = arith.remsi %sub3A_226, %rem3A_431 : i32
        %mul3A_433 = arith.constant 2048 : i32
        %mul3A_434 = arith.muli %sub3A_226, %mul3A_433 : i32
        %add3A_435 = arith.constant 0 : i32
        %add3A_436 = arith.addi %mul3A_434, %add3A_435 : i32
        %dma_start3A_437 = tpu.memref_slice %arg6[%rem3A_432] : memref<4x!tpu.dma_semaphore, #tpu.memory_space<semaphore_mem>> -> memref<1x!tpu.dma_semaphore, #tpu.memory_space<semaphore_mem>>
        %dma_start3A_438 = tpu.memref_squeeze %dma_start3A_437 : memref<1x!tpu.dma_semaphore, #tpu.memory_space<semaphore_mem>> -> memref<!tpu.dma_semaphore, #tpu.memory_space<semaphore_mem>>
        %dma_start3A_439 = arith.constant 0 : i32
        %dma_start3A_440 = arith.constant 0 : i32
        %dma_start3A_441 = tpu.memref_slice %arg4[%rem3A_432, %dma_start3A_439, %dma_start3A_440] : memref<4x2048x1024xf32, #tpu.memory_space<vmem>> -> memref<1x512x1024xf32, #tpu.memory_space<vmem>>
        %dma_start3A_442 = tpu.memref_squeeze %dma_start3A_441 : memref<1x512x1024xf32, #tpu.memory_space<vmem>> -> memref<512x1024xf32, #tpu.memory_space<vmem>>
        %dma_start3A_443 = arith.constant 0 : i32
        %dma_start3A_444 = tpu.memref_slice %arg2[%add3A_436, %dma_start3A_443] : memref<100000x1024xf32, #tpu.memory_space<hbm>> -> memref<512x1024xf32, #tpu.memory_space<hbm>>
        tpu.enqueue_dma source(%dma_start3A_444 : memref<512x1024xf32, #tpu.memory_space<hbm>>) target(%dma_start3A_442 : memref<512x1024xf32, #tpu.memory_space<vmem>>) target_semaphore(%dma_start3A_438 : memref<!tpu.dma_semaphore, #tpu.memory_space<semaphore_mem>>)
        %mul3A_445 = arith.constant 2048 : i32
        %mul3A_446 = arith.muli %sub3A_226, %mul3A_445 : i32
        %add3A_447 = arith.constant 512 : i32
        %add3A_448 = arith.addi %mul3A_446, %add3A_447 : i32
        %dma_start3A_449 = tpu.memref_slice %arg6[%rem3A_432] : memref<4x!tpu.dma_semaphore, #tpu.memory_space<semaphore_mem>> -> memref<1x!tpu.dma_semaphore, #tpu.memory_space<semaphore_mem>>
        %dma_start3A_450 = tpu.memref_squeeze %dma_start3A_449 : memref<1x!tpu.dma_semaphore, #tpu.memory_space<semaphore_mem>> -> memref<!tpu.dma_semaphore, #tpu.memory_space<semaphore_mem>>
        %dma_start3A_451 = arith.constant 512 : i32
        %dma_start3A_452 = arith.constant 0 : i32
        %dma_start3A_453 = tpu.memref_slice %arg4[%rem3A_432, %dma_start3A_451, %dma_start3A_452] : memref<4x2048x1024xf32, #tpu.memory_space<vmem>> -> memref<1x512x1024xf32, #tpu.memory_space<vmem>>
        %dma_start3A_454 = tpu.memref_squeeze %dma_start3A_453 : memref<1x512x1024xf32, #tpu.memory_space<vmem>> -> memref<512x1024xf32, #tpu.memory_space<vmem>>
        %dma_start3A_455 = arith.constant 0 : i32
        %dma_start3A_456 = tpu.memref_slice %arg2[%add3A_448, %dma_start3A_455] : memref<100000x1024xf32, #tpu.memory_space<hbm>> -> memref<512x1024xf32, #tpu.memory_space<hbm>>
        tpu.enqueue_dma source(%dma_start3A_456 : memref<512x1024xf32, #tpu.memory_space<hbm>>) target(%dma_start3A_454 : memref<512x1024xf32, #tpu.memory_space<vmem>>) target_semaphore(%dma_start3A_450 : memref<!tpu.dma_semaphore, #tpu.memory_space<semaphore_mem>>)
        %mul3A_457 = arith.constant 2048 : i32
        %mul3A_458 = arith.muli %sub3A_226, %mul3A_457 : i32
        %add3A_459 = arith.constant 1024 : i32
        %add3A_460 = arith.addi %mul3A_458, %add3A_459 : i32
        %dma_start3A_461 = tpu.memref_slice %arg6[%rem3A_432] : memref<4x!tpu.dma_semaphore, #tpu.memory_space<semaphore_mem>> -> memref<1x!tpu.dma_semaphore, #tpu.memory_space<semaphore_mem>>
        %dma_start3A_462 = tpu.memref_squeeze %dma_start3A_461 : memref<1x!tpu.dma_semaphore, #tpu.memory_space<semaphore_mem>> -> memref<!tpu.dma_semaphore, #tpu.memory_space<semaphore_mem>>
        %dma_start3A_463 = arith.constant 1024 : i32
        %dma_start3A_464 = arith.constant 0 : i32
        %dma_start3A_465 = tpu.memref_slice %arg4[%rem3A_432, %dma_start3A_463, %dma_start3A_464] : memref<4x2048x1024xf32, #tpu.memory_space<vmem>> -> memref<1x512x1024xf32, #tpu.memory_space<vmem>>
        %dma_start3A_466 = tpu.memref_squeeze %dma_start3A_465 : memref<1x512x1024xf32, #tpu.memory_space<vmem>> -> memref<512x1024xf32, #tpu.memory_space<vmem>>
        %dma_start3A_467 = arith.constant 0 : i32
        %dma_start3A_468 = tpu.memref_slice %arg2[%add3A_460, %dma_start3A_467] : memref<100000x1024xf32, #tpu.memory_space<hbm>> -> memref<512x1024xf32, #tpu.memory_space<hbm>>
        tpu.enqueue_dma source(%dma_start3A_468 : memref<512x1024xf32, #tpu.memory_space<hbm>>) target(%dma_start3A_466 : memref<512x1024xf32, #tpu.memory_space<vmem>>) target_semaphore(%dma_start3A_462 : memref<!tpu.dma_semaphore, #tpu.memory_space<semaphore_mem>>)
        %mul3A_469 = arith.constant 2048 : i32
        %mul3A_470 = arith.muli %sub3A_226, %mul3A_469 : i32
        %add3A_471 = arith.constant 1536 : i32
        %add3A_472 = arith.addi %mul3A_470, %add3A_471 : i32
        %dma_start3A_473 = tpu.memref_slice %arg6[%rem3A_432] : memref<4x!tpu.dma_semaphore, #tpu.memory_space<semaphore_mem>> -> memref<1x!tpu.dma_semaphore, #tpu.memory_space<semaphore_mem>>
        %dma_start3A_474 = tpu.memref_squeeze %dma_start3A_473 : memref<1x!tpu.dma_semaphore, #tpu.memory_space<semaphore_mem>> -> memref<!tpu.dma_semaphore, #tpu.memory_space<semaphore_mem>>
        %dma_start3A_475 = arith.constant 1536 : i32
        %dma_start3A_476 = arith.constant 0 : i32
        %dma_start3A_477 = tpu.memref_slice %arg4[%rem3A_432, %dma_start3A_475, %dma_start3A_476] : memref<4x2048x1024xf32, #tpu.memory_space<vmem>> -> memref<1x160x1024xf32, #tpu.memory_space<vmem>>
        %dma_start3A_478 = tpu.memref_squeeze %dma_start3A_477 : memref<1x160x1024xf32, #tpu.memory_space<vmem>> -> memref<160x1024xf32, #tpu.memory_space<vmem>>
        %dma_start3A_479 = arith.constant 0 : i32
        %dma_start3A_480 = tpu.memref_slice %arg2[%add3A_472, %dma_start3A_479] : memref<100000x1024xf32, #tpu.memory_space<hbm>> -> memref<160x1024xf32, #tpu.memory_space<hbm>>
        tpu.enqueue_dma source(%dma_start3A_480 : memref<160x1024xf32, #tpu.memory_space<hbm>>) target(%dma_start3A_478 : memref<160x1024xf32, #tpu.memory_space<vmem>>) target_semaphore(%dma_start3A_474 : memref<!tpu.dma_semaphore, #tpu.memory_space<semaphore_mem>>)
      } else {
      }
      %rem3A_237 = arith.constant 4 : i32
      %rem3A_238 = arith.remsi %scan3A_222, %rem3A_237 : i32
      %rem3A_239 = arith.constant 4 : i32
      %rem3A_240 = arith.remsi %scan3A_222, %rem3A_239 : i32
      %mul3A_241 = arith.constant 2048 : i32
      %mul3A_242 = arith.muli %scan3A_222, %mul3A_241 : i32
      %dma_wait3A_243 = tpu.memref_slice %arg6[%rem3A_240] : memref<4x!tpu.dma_semaphore, #tpu.memory_space<semaphore_mem>> -> memref<1x!tpu.dma_semaphore, #tpu.memory_space<semaphore_mem>>
      %dma_wait3A_244 = tpu.memref_squeeze %dma_wait3A_243 : memref<1x!tpu.dma_semaphore, #tpu.memory_space<semaphore_mem>> -> memref<!tpu.dma_semaphore, #tpu.memory_space<semaphore_mem>>
      %dma_wait3A_245 = arith.constant 0 : i32
      %dma_wait3A_246 = arith.constant 0 : i32
      %dma_wait3A_247 = tpu.memref_slice %arg4[%rem3A_240, %dma_wait3A_245, %dma_wait3A_246] : memref<4x2048x1024xf32, #tpu.memory_space<vmem>> -> memref<1x2048x1024xf32, #tpu.memory_space<vmem>>
      %dma_wait3A_248 = tpu.memref_squeeze %dma_wait3A_247 : memref<1x2048x1024xf32, #tpu.memory_space<vmem>> -> memref<2048x1024xf32, #tpu.memory_space<vmem>>
      %dma_wait3A_249 = arith.constant 0 : i32
      %dma_wait3A_250 = tpu.memref_slice %arg2[%mul3A_242, %dma_wait3A_249] : memref<100000x1024xf32, #tpu.memory_space<hbm>> -> memref<2048x1024xf32, #tpu.memory_space<hbm>>
      tpu.wait_dma2 semaphore(%dma_wait3A_244 : memref<!tpu.dma_semaphore, #tpu.memory_space<semaphore_mem>>) src(%dma_wait3A_250 : memref<2048x1024xf32, #tpu.memory_space<hbm>>) dst(%dma_wait3A_248 : memref<2048x1024xf32, #tpu.memory_space<vmem>>)
      %get3A_251 = arith.index_cast %rem3A_238 : i32 to index
      %get3A_252 = arith.constant 0 : index
      %get3A_253 = arith.constant 0 : index
      %get3A_254 = vector.load %arg4[%get3A_251, %get3A_252, %get3A_253] : memref<4x2048x1024xf32, #tpu.memory_space<vmem>>, vector<1x2048x1024xf32>
      %get3A_255 = vector.shape_cast %get3A_254 : vector<1x2048x1024xf32> to vector<2048x1024xf32>
      %get3A_256 = arith.constant 0 : index
      %get3A_257 = arith.constant 0 : index
      %get3A_258 = vector.load %arg0[%get3A_256, %get3A_257] : memref<128x1024xf32, #tpu.memory_space<vmem>>, vector<128x1024xf32>
      %dot_general3A_259 = arith.constant dense<0.000000e+00> : vector<2048x128xf32>
      %dot_general3A_260 = tpu.matmul %get3A_255, %get3A_258, %dot_general3A_259 {dimension_numbers = #tpu.dot_dimension_numbers<[1], [1], [0], [0], [0, 0, 1, 0], [], []>, transpose_lhs_hint = false} : vector<2048x1024xf32>, vector<128x1024xf32>, vector<2048x128xf32> -> vector<2048x128xf32>
      %get3A_261 = arith.index_cast %scan3A_222 : i32 to index
      %get3A_262 = arith.constant 0 : index
      %get3A_263 = vector.load %arg1[%get3A_261, %get3A_262] : memref<49x2048xf32, #tpu.memory_space<vmem>>, vector<1x2048xf32>
      %get3A_264 = vector.shape_cast %get3A_263 : vector<1x2048xf32> to vector<2048xf32>
      %reshape3A_265 = vector.shape_cast %get3A_264 : vector<2048xf32> to vector<2048x1xf32>
      %add3A_266 = vector.broadcast %reshape3A_265 : vector<2048x1xf32> to vector<2048x128xf32>
      %add3A_267 = arith.addf %dot_general3A_260, %add3A_266 : vector<2048x128xf32>
      %ge3A_268 = arith.constant 4 : i32
      %ge3A_269 = arith.cmpi sge, %scan3A_222, %ge3A_268 : i32
      %convert_element_type3A_270 = arith.extui %ge3A_269 : i1 to i32
      %cond3A_271 = arith.constant 0 : i32
      %cond3A_272 = arith.cmpi ne, %convert_element_type3A_270, %cond3A_271 : i32
      scf.if %cond3A_272 {
        %sub3A_431 = arith.constant 4 : i32
        %sub3A_432 = arith.subi %scan3A_222, %sub3A_431 : i32
        %rem3A_433 = arith.constant 4 : i32
        %rem3A_434 = arith.remsi %sub3A_432, %rem3A_433 : i32
        %mul3A_435 = arith.constant 2048 : i32
        %mul3A_436 = arith.muli %sub3A_432, %mul3A_435 : i32
        %dma_wait3A_437 = tpu.memref_slice %arg7[%rem3A_434] : memref<4x!tpu.dma_semaphore, #tpu.memory_space<semaphore_mem>> -> memref<1x!tpu.dma_semaphore, #tpu.memory_space<semaphore_mem>>
        %dma_wait3A_438 = tpu.memref_squeeze %dma_wait3A_437 : memref<1x!tpu.dma_semaphore, #tpu.memory_space<semaphore_mem>> -> memref<!tpu.dma_semaphore, #tpu.memory_space<semaphore_mem>>
        %dma_wait3A_439 = arith.constant 0 : i32
        %dma_wait3A_440 = tpu.memref_slice %arg3[%mul3A_436, %dma_wait3A_439] : memref<100000x128xf32, #tpu.memory_space<hbm>> -> memref<2048x128xf32, #tpu.memory_space<hbm>>
        %dma_wait3A_441 = arith.constant 0 : i32
        %dma_wait3A_442 = arith.constant 0 : i32
        %dma_wait3A_443 = tpu.memref_slice %arg5[%rem3A_434, %dma_wait3A_441, %dma_wait3A_442] : memref<4x2048x128xf32, #tpu.memory_space<vmem>> -> memref<1x2048x128xf32, #tpu.memory_space<vmem>>
        %dma_wait3A_444 = tpu.memref_squeeze %dma_wait3A_443 : memref<1x2048x128xf32, #tpu.memory_space<vmem>> -> memref<2048x128xf32, #tpu.memory_space<vmem>>
        tpu.wait_dma2 semaphore(%dma_wait3A_438 : memref<!tpu.dma_semaphore, #tpu.memory_space<semaphore_mem>>) src(%dma_wait3A_444 : memref<2048x128xf32, #tpu.memory_space<vmem>>) dst(%dma_wait3A_440 : memref<2048x128xf32, #tpu.memory_space<hbm>>)
      } else {
      }
      %swap3A_273 = arith.index_cast %rem3A_238 : i32 to index
      %swap3A_274 = arith.constant 0 : index
      %swap3A_275 = arith.constant 0 : index
      %swap3A_276 = vector.load %arg5[%swap3A_273, %swap3A_274, %swap3A_275] : memref<4x2048x128xf32, #tpu.memory_space<vmem>>, vector<1x2048x128xf32>
      %swap3A_277 = vector.shape_cast %swap3A_276 : vector<1x2048x128xf32> to vector<2048x128xf32>
      %swap3A_278 = vector.shape_cast %add3A_267 : vector<2048x128xf32> to vector<1x2048x128xf32>
      tpu.vector_store %arg5[%swap3A_273, %swap3A_274, %swap3A_275], %swap3A_278 {strides = array<i32>} : memref<4x2048x128xf32, #tpu.memory_space<vmem>>, vector<1x2048x128xf32>,
      %rem3A_279 = arith.constant 4 : i32
      %rem3A_280 = arith.remsi %scan3A_222, %rem3A_279 : i32
      %mul3A_281 = arith.constant 2048 : i32
      %mul3A_282 = arith.muli %scan3A_222, %mul3A_281 : i32
      %dma_start3A_283 = tpu.memref_slice %arg7[%rem3A_280] : memref<4x!tpu.dma_semaphore, #tpu.memory_space<semaphore_mem>> -> memref<1x!tpu.dma_semaphore, #tpu.memory_space<semaphore_mem>>
      %dma_start3A_284 = tpu.memref_squeeze %dma_start3A_283 : memref<1x!tpu.dma_semaphore, #tpu.memory_space<semaphore_mem>> -> memref<!tpu.dma_semaphore, #tpu.memory_space<semaphore_mem>>
      %dma_start3A_285 = arith.constant 0 : i32
      %dma_start3A_286 = tpu.memref_slice %arg3[%mul3A_282, %dma_start3A_285] : memref<100000x128xf32, #tpu.memory_space<hbm>> -> memref<2048x128xf32, #tpu.memory_space<hbm>>
      %dma_start3A_287 = arith.constant 0 : i32
      %dma_start3A_288 = arith.constant 0 : i32
      %dma_start3A_289 = tpu.memref_slice %arg5[%rem3A_280, %dma_start3A_287, %dma_start3A_288] : memref<4x2048x128xf32, #tpu.memory_space<vmem>> -> memref<1x2048x128xf32, #tpu.memory_space<vmem>>
      %dma_start3A_290 = tpu.memref_squeeze %dma_start3A_289 : memref<1x2048x128xf32, #tpu.memory_space<vmem>> -> memref<2048x128xf32, #tpu.memory_space<vmem>>
      tpu.enqueue_dma source(%dma_start3A_290 : memref<2048x128xf32, #tpu.memory_space<vmem>>) target(%dma_start3A_286 : memref<2048x128xf32, #tpu.memory_space<hbm>>) target_semaphore(%dma_start3A_284 : memref<!tpu.dma_semaphore, #tpu.memory_space<semaphore_mem>>)
      %scan3A_291 = arith.constant 2 : i32
      %scan3A_292 = arith.addi %scan3A_154, %scan3A_291 : i32
      %add3A_293 = arith.constant 4 : i32
      %add3A_294 = arith.addi %scan3A_292, %add3A_293 : i32
      %sub3A_295 = arith.constant 1 : i32
      %sub3A_296 = arith.subi %add3A_294, %sub3A_295 : i32
      %lt3A_297 = arith.constant 48 : i32
      %lt3A_298 = arith.cmpi slt, %sub3A_296, %lt3A_297 : i32
      %convert_element_type3A_299 = arith.extui %lt3A_298 : i1 to i32
      %cond3A_300 = arith.constant 0 : i32
      %cond3A_301 = arith.cmpi ne, %convert_element_type3A_299, %cond3A_300 : i32
      scf.if %cond3A_301 {
        %rem3A_431 = arith.constant 4 : i32
        %rem3A_432 = arith.remsi %sub3A_296, %rem3A_431 : i32
        %mul3A_433 = arith.constant 2048 : i32
        %mul3A_434 = arith.muli %sub3A_296, %mul3A_433 : i32
        %add3A_435 = arith.constant 0 : i32
        %add3A_436 = arith.addi %mul3A_434, %add3A_435 : i32
        %dma_start3A_437 = tpu.memref_slice %arg6[%rem3A_432] : memref<4x!tpu.dma_semaphore, #tpu.memory_space<semaphore_mem>> -> memref<1x!tpu.dma_semaphore, #tpu.memory_space<semaphore_mem>>
        %dma_start3A_438 = tpu.memref_squeeze %dma_start3A_437 : memref<1x!tpu.dma_semaphore, #tpu.memory_space<semaphore_mem>> -> memref<!tpu.dma_semaphore, #tpu.memory_space<semaphore_mem>>
        %dma_start3A_439 = arith.constant 0 : i32
        %dma_start3A_440 = arith.constant 0 : i32
        %dma_start3A_441 = tpu.memref_slice %arg4[%rem3A_432, %dma_start3A_439, %dma_start3A_440] : memref<4x2048x1024xf32, #tpu.memory_space<vmem>> -> memref<1x512x1024xf32, #tpu.memory_space<vmem>>
        %dma_start3A_442 = tpu.memref_squeeze %dma_start3A_441 : memref<1x512x1024xf32, #tpu.memory_space<vmem>> -> memref<512x1024xf32, #tpu.memory_space<vmem>>
        %dma_start3A_443 = arith.constant 0 : i32
        %dma_start3A_444 = tpu.memref_slice %arg2[%add3A_436, %dma_start3A_443] : memref<100000x1024xf32, #tpu.memory_space<hbm>> -> memref<512x1024xf32, #tpu.memory_space<hbm>>
        tpu.enqueue_dma source(%dma_start3A_444 : memref<512x1024xf32, #tpu.memory_space<hbm>>) target(%dma_start3A_442 : memref<512x1024xf32, #tpu.memory_space<vmem>>) target_semaphore(%dma_start3A_438 : memref<!tpu.dma_semaphore, #tpu.memory_space<semaphore_mem>>)
        %mul3A_445 = arith.constant 2048 : i32
        %mul3A_446 = arith.muli %sub3A_296, %mul3A_445 : i32
        %add3A_447 = arith.constant 512 : i32
        %add3A_448 = arith.addi %mul3A_446, %add3A_447 : i32
        %dma_start3A_449 = tpu.memref_slice %arg6[%rem3A_432] : memref<4x!tpu.dma_semaphore, #tpu.memory_space<semaphore_mem>> -> memref<1x!tpu.dma_semaphore, #tpu.memory_space<semaphore_mem>>
        %dma_start3A_450 = tpu.memref_squeeze %dma_start3A_449 : memref<1x!tpu.dma_semaphore, #tpu.memory_space<semaphore_mem>> -> memref<!tpu.dma_semaphore, #tpu.memory_space<semaphore_mem>>
        %dma_start3A_451 = arith.constant 512 : i32
        %dma_start3A_452 = arith.constant 0 : i32
        %dma_start3A_453 = tpu.memref_slice %arg4[%rem3A_432, %dma_start3A_451, %dma_start3A_452] : memref<4x2048x1024xf32, #tpu.memory_space<vmem>> -> memref<1x512x1024xf32, #tpu.memory_space<vmem>>
        %dma_start3A_454 = tpu.memref_squeeze %dma_start3A_453 : memref<1x512x1024xf32, #tpu.memory_space<vmem>> -> memref<512x1024xf32, #tpu.memory_space<vmem>>
        %dma_start3A_455 = arith.constant 0 : i32
        %dma_start3A_456 = tpu.memref_slice %arg2[%add3A_448, %dma_start3A_455] : memref<100000x1024xf32, #tpu.memory_space<hbm>> -> memref<512x1024xf32, #tpu.memory_space<hbm>>
        tpu.enqueue_dma source(%dma_start3A_456 : memref<512x1024xf32, #tpu.memory_space<hbm>>) target(%dma_start3A_454 : memref<512x1024xf32, #tpu.memory_space<vmem>>) target_semaphore(%dma_start3A_450 : memref<!tpu.dma_semaphore, #tpu.memory_space<semaphore_mem>>)
        %mul3A_457 = arith.constant 2048 : i32
        %mul3A_458 = arith.muli %sub3A_296, %mul3A_457 : i32
        %add3A_459 = arith.constant 1024 : i32
        %add3A_460 = arith.addi %mul3A_458, %add3A_459 : i32
        %dma_start3A_461 = tpu.memref_slice %arg6[%rem3A_432] : memref<4x!tpu.dma_semaphore, #tpu.memory_space<semaphore_mem>> -> memref<1x!tpu.dma_semaphore, #tpu.memory_space<semaphore_mem>>
        %dma_start3A_462 = tpu.memref_squeeze %dma_start3A_461 : memref<1x!tpu.dma_semaphore, #tpu.memory_space<semaphore_mem>> -> memref<!tpu.dma_semaphore, #tpu.memory_space<semaphore_mem>>
        %dma_start3A_463 = arith.constant 1024 : i32
        %dma_start3A_464 = arith.constant 0 : i32
        %dma_start3A_465 = tpu.memref_slice %arg4[%rem3A_432, %dma_start3A_463, %dma_start3A_464] : memref<4x2048x1024xf32, #tpu.memory_space<vmem>> -> memref<1x512x1024xf32, #tpu.memory_space<vmem>>
        %dma_start3A_466 = tpu.memref_squeeze %dma_start3A_465 : memref<1x512x1024xf32, #tpu.memory_space<vmem>> -> memref<512x1024xf32, #tpu.memory_space<vmem>>
        %dma_start3A_467 = arith.constant 0 : i32
        %dma_start3A_468 = tpu.memref_slice %arg2[%add3A_460, %dma_start3A_467] : memref<100000x1024xf32, #tpu.memory_space<hbm>> -> memref<512x1024xf32, #tpu.memory_space<hbm>>
        tpu.enqueue_dma source(%dma_start3A_468 : memref<512x1024xf32, #tpu.memory_space<hbm>>) target(%dma_start3A_466 : memref<512x1024xf32, #tpu.memory_space<vmem>>) target_semaphore(%dma_start3A_462 : memref<!tpu.dma_semaphore, #tpu.memory_space<semaphore_mem>>)
        %mul3A_469 = arith.constant 2048 : i32
        %mul3A_470 = arith.muli %sub3A_296, %mul3A_469 : i32
        %add3A_471 = arith.constant 1536 : i32
        %add3A_472 = arith.addi %mul3A_470, %add3A_471 : i32
        %dma_start3A_473 = tpu.memref_slice %arg6[%rem3A_432] : memref<4x!tpu.dma_semaphore, #tpu.memory_space<semaphore_mem>> -> memref<1x!tpu.dma_semaphore, #tpu.memory_space<semaphore_mem>>
        %dma_start3A_474 = tpu.memref_squeeze %dma_start3A_473 : memref<1x!tpu.dma_semaphore, #tpu.memory_space<semaphore_mem>> -> memref<!tpu.dma_semaphore, #tpu.memory_space<semaphore_mem>>
        %dma_start3A_475 = arith.constant 1536 : i32
        %dma_start3A_476 = arith.constant 0 : i32
        %dma_start3A_477 = tpu.memref_slice %arg4[%rem3A_432, %dma_start3A_475, %dma_start3A_476] : memref<4x2048x1024xf32, #tpu.memory_space<vmem>> -> memref<1x512x1024xf32, #tpu.memory_space<vmem>>
        %dma_start3A_478 = tpu.memref_squeeze %dma_start3A_477 : memref<1x512x1024xf32, #tpu.memory_space<vmem>> -> memref<512x1024xf32, #tpu.memory_space<vmem>>
        %dma_start3A_479 = arith.constant 0 : i32
        %dma_start3A_480 = tpu.memref_slice %arg2[%add3A_472, %dma_start3A_479] : memref<100000x1024xf32, #tpu.memory_space<hbm>> -> memref<512x1024xf32, #tpu.memory_space<hbm>>
        tpu.enqueue_dma source(%dma_start3A_480 : memref<512x1024xf32, #tpu.memory_space<hbm>>) target(%dma_start3A_478 : memref<512x1024xf32, #tpu.memory_space<vmem>>) target_semaphore(%dma_start3A_474 : memref<!tpu.dma_semaphore, #tpu.memory_space<semaphore_mem>>)
      } else {
      }
      %eq3A_302 = arith.constant 48 : i32
      %eq3A_303 = arith.cmpi eq, %sub3A_296, %eq3A_302 : i32
      %convert_element_type3A_304 = arith.extui %eq3A_303 : i1 to i32
      %cond3A_305 = arith.constant 0 : i32
      %cond3A_306 = arith.cmpi ne, %convert_element_type3A_304, %cond3A_305 : i32
      scf.if %cond3A_306 {
        %rem3A_431 = arith.constant 4 : i32
        %rem3A_432 = arith.remsi %sub3A_296, %rem3A_431 : i32
        %mul3A_433 = arith.constant 2048 : i32
        %mul3A_434 = arith.muli %sub3A_296, %mul3A_433 : i32
        %add3A_435 = arith.constant 0 : i32
        %add3A_436 = arith.addi %mul3A_434, %add3A_435 : i32
        %dma_start3A_437 = tpu.memref_slice %arg6[%rem3A_432] : memref<4x!tpu.dma_semaphore, #tpu.memory_space<semaphore_mem>> -> memref<1x!tpu.dma_semaphore, #tpu.memory_space<semaphore_mem>>
        %dma_start3A_438 = tpu.memref_squeeze %dma_start3A_437 : memref<1x!tpu.dma_semaphore, #tpu.memory_space<semaphore_mem>> -> memref<!tpu.dma_semaphore, #tpu.memory_space<semaphore_mem>>
        %dma_start3A_439 = arith.constant 0 : i32
        %dma_start3A_440 = arith.constant 0 : i32
        %dma_start3A_441 = tpu.memref_slice %arg4[%rem3A_432, %dma_start3A_439, %dma_start3A_440] : memref<4x2048x1024xf32, #tpu.memory_space<vmem>> -> memref<1x512x1024xf32, #tpu.memory_space<vmem>>
        %dma_start3A_442 = tpu.memref_squeeze %dma_start3A_441 : memref<1x512x1024xf32, #tpu.memory_space<vmem>> -> memref<512x1024xf32, #tpu.memory_space<vmem>>
        %dma_start3A_443 = arith.constant 0 : i32
        %dma_start3A_444 = tpu.memref_slice %arg2[%add3A_436, %dma_start3A_443] : memref<100000x1024xf32, #tpu.memory_space<hbm>> -> memref<512x1024xf32, #tpu.memory_space<hbm>>
        tpu.enqueue_dma source(%dma_start3A_444 : memref<512x1024xf32, #tpu.memory_space<hbm>>) target(%dma_start3A_442 : memref<512x1024xf32, #tpu.memory_space<vmem>>) target_semaphore(%dma_start3A_438 : memref<!tpu.dma_semaphore, #tpu.memory_space<semaphore_mem>>)
        %mul3A_445 = arith.constant 2048 : i32
        %mul3A_446 = arith.muli %sub3A_296, %mul3A_445 : i32
        %add3A_447 = arith.constant 512 : i32
        %add3A_448 = arith.addi %mul3A_446, %add3A_447 : i32
        %dma_start3A_449 = tpu.memref_slice %arg6[%rem3A_432] : memref<4x!tpu.dma_semaphore, #tpu.memory_space<semaphore_mem>> -> memref<1x!tpu.dma_semaphore, #tpu.memory_space<semaphore_mem>>
        %dma_start3A_450 = tpu.memref_squeeze %dma_start3A_449 : memref<1x!tpu.dma_semaphore, #tpu.memory_space<semaphore_mem>> -> memref<!tpu.dma_semaphore, #tpu.memory_space<semaphore_mem>>
        %dma_start3A_451 = arith.constant 512 : i32
        %dma_start3A_452 = arith.constant 0 : i32
        %dma_start3A_453 = tpu.memref_slice %arg4[%rem3A_432, %dma_start3A_451, %dma_start3A_452] : memref<4x2048x1024xf32, #tpu.memory_space<vmem>> -> memref<1x512x1024xf32, #tpu.memory_space<vmem>>
        %dma_start3A_454 = tpu.memref_squeeze %dma_start3A_453 : memref<1x512x1024xf32, #tpu.memory_space<vmem>> -> memref<512x1024xf32, #tpu.memory_space<vmem>>
        %dma_start3A_455 = arith.constant 0 : i32
        %dma_start3A_456 = tpu.memref_slice %arg2[%add3A_448, %dma_start3A_455] : memref<100000x1024xf32, #tpu.memory_space<hbm>> -> memref<512x1024xf32, #tpu.memory_space<hbm>>
        tpu.enqueue_dma source(%dma_start3A_456 : memref<512x1024xf32, #tpu.memory_space<hbm>>) target(%dma_start3A_454 : memref<512x1024xf32, #tpu.memory_space<vmem>>) target_semaphore(%dma_start3A_450 : memref<!tpu.dma_semaphore, #tpu.memory_space<semaphore_mem>>)
        %mul3A_457 = arith.constant 2048 : i32
        %mul3A_458 = arith.muli %sub3A_296, %mul3A_457 : i32
        %add3A_459 = arith.constant 1024 : i32
        %add3A_460 = arith.addi %mul3A_458, %add3A_459 : i32
        %dma_start3A_461 = tpu.memref_slice %arg6[%rem3A_432] : memref<4x!tpu.dma_semaphore, #tpu.memory_space<semaphore_mem>> -> memref<1x!tpu.dma_semaphore, #tpu.memory_space<semaphore_mem>>
        %dma_start3A_462 = tpu.memref_squeeze %dma_start3A_461 : memref<1x!tpu.dma_semaphore, #tpu.memory_space<semaphore_mem>> -> memref<!tpu.dma_semaphore, #tpu.memory_space<semaphore_mem>>
        %dma_start3A_463 = arith.constant 1024 : i32
        %dma_start3A_464 = arith.constant 0 : i32
        %dma_start3A_465 = tpu.memref_slice %arg4[%rem3A_432, %dma_start3A_463, %dma_start3A_464] : memref<4x2048x1024xf32, #tpu.memory_space<vmem>> -> memref<1x512x1024xf32, #tpu.memory_space<vmem>>
        %dma_start3A_466 = tpu.memref_squeeze %dma_start3A_465 : memref<1x512x1024xf32, #tpu.memory_space<vmem>> -> memref<512x1024xf32, #tpu.memory_space<vmem>>
        %dma_start3A_467 = arith.constant 0 : i32
        %dma_start3A_468 = tpu.memref_slice %arg2[%add3A_460, %dma_start3A_467] : memref<100000x1024xf32, #tpu.memory_space<hbm>> -> memref<512x1024xf32, #tpu.memory_space<hbm>>
        tpu.enqueue_dma source(%dma_start3A_468 : memref<512x1024xf32, #tpu.memory_space<hbm>>) target(%dma_start3A_466 : memref<512x1024xf32, #tpu.memory_space<vmem>>) target_semaphore(%dma_start3A_462 : memref<!tpu.dma_semaphore, #tpu.memory_space<semaphore_mem>>)
        %mul3A_469 = arith.constant 2048 : i32
        %mul3A_470 = arith.muli %sub3A_296, %mul3A_469 : i32
        %add3A_471 = arith.constant 1536 : i32
        %add3A_472 = arith.addi %mul3A_470, %add3A_471 : i32
        %dma_start3A_473 = tpu.memref_slice %arg6[%rem3A_432] : memref<4x!tpu.dma_semaphore, #tpu.memory_space<semaphore_mem>> -> memref<1x!tpu.dma_semaphore, #tpu.memory_space<semaphore_mem>>
        %dma_start3A_474 = tpu.memref_squeeze %dma_start3A_473 : memref<1x!tpu.dma_semaphore, #tpu.memory_space<semaphore_mem>> -> memref<!tpu.dma_semaphore, #tpu.memory_space<semaphore_mem>>
        %dma_start3A_475 = arith.constant 1536 : i32
        %dma_start3A_476 = arith.constant 0 : i32
        %dma_start3A_477 = tpu.memref_slice %arg4[%rem3A_432, %dma_start3A_475, %dma_start3A_476] : memref<4x2048x1024xf32, #tpu.memory_space<vmem>> -> memref<1x160x1024xf32, #tpu.memory_space<vmem>>
        %dma_start3A_478 = tpu.memref_squeeze %dma_start3A_477 : memref<1x160x1024xf32, #tpu.memory_space<vmem>> -> memref<160x1024xf32, #tpu.memory_space<vmem>>
        %dma_start3A_479 = arith.constant 0 : i32
        %dma_start3A_480 = tpu.memref_slice %arg2[%add3A_472, %dma_start3A_479] : memref<100000x1024xf32, #tpu.memory_space<hbm>> -> memref<160x1024xf32, #tpu.memory_space<hbm>>
        tpu.enqueue_dma source(%dma_start3A_480 : memref<160x1024xf32, #tpu.memory_space<hbm>>) target(%dma_start3A_478 : memref<160x1024xf32, #tpu.memory_space<vmem>>) target_semaphore(%dma_start3A_474 : memref<!tpu.dma_semaphore, #tpu.memory_space<semaphore_mem>>)
      } else {
      }
      %rem3A_307 = arith.constant 4 : i32
      %rem3A_308 = arith.remsi %scan3A_292, %rem3A_307 : i32
      %rem3A_309 = arith.constant 4 : i32
      %rem3A_310 = arith.remsi %scan3A_292, %rem3A_309 : i32
      %mul3A_311 = arith.constant 2048 : i32
      %mul3A_312 = arith.muli %scan3A_292, %mul3A_311 : i32
      %dma_wait3A_313 = tpu.memref_slice %arg6[%rem3A_310] : memref<4x!tpu.dma_semaphore, #tpu.memory_space<semaphore_mem>> -> memref<1x!tpu.dma_semaphore, #tpu.memory_space<semaphore_mem>>
      %dma_wait3A_314 = tpu.memref_squeeze %dma_wait3A_313 : memref<1x!tpu.dma_semaphore, #tpu.memory_space<semaphore_mem>> -> memref<!tpu.dma_semaphore, #tpu.memory_space<semaphore_mem>>
      %dma_wait3A_315 = arith.constant 0 : i32
      %dma_wait3A_316 = arith.constant 0 : i32
      %dma_wait3A_317 = tpu.memref_slice %arg4[%rem3A_310, %dma_wait3A_315, %dma_wait3A_316] : memref<4x2048x1024xf32, #tpu.memory_space<vmem>> -> memref<1x2048x1024xf32, #tpu.memory_space<vmem>>
      %dma_wait3A_318 = tpu.memref_squeeze %dma_wait3A_317 : memref<1x2048x1024xf32, #tpu.memory_space<vmem>> -> memref<2048x1024xf32, #tpu.memory_space<vmem>>
      %dma_wait3A_319 = arith.constant 0 : i32
      %dma_wait3A_320 = tpu.memref_slice %arg2[%mul3A_312, %dma_wait3A_319] : memref<100000x1024xf32, #tpu.memory_space<hbm>> -> memref<2048x1024xf32, #tpu.memory_space<hbm>>
      tpu.wait_dma2 semaphore(%dma_wait3A_314 : memref<!tpu.dma_semaphore, #tpu.memory_space<semaphore_mem>>) src(%dma_wait3A_320 : memref<2048x1024xf32, #tpu.memory_space<hbm>>) dst(%dma_wait3A_318 : memref<2048x1024xf32, #tpu.memory_space<vmem>>)
      %get3A_321 = arith.index_cast %rem3A_308 : i32 to index
      %get3A_322 = arith.constant 0 : index
      %get3A_323 = arith.constant 0 : index
      %get3A_324 = vector.load %arg4[%get3A_321, %get3A_322, %get3A_323] : memref<4x2048x1024xf32, #tpu.memory_space<vmem>>, vector<1x2048x1024xf32>
      %get3A_325 = vector.shape_cast %get3A_324 : vector<1x2048x1024xf32> to vector<2048x1024xf32>
      %get3A_326 = arith.constant 0 : index
      %get3A_327 = arith.constant 0 : index
      %get3A_328 = vector.load %arg0[%get3A_326, %get3A_327] : memref<128x1024xf32, #tpu.memory_space<vmem>>, vector<128x1024xf32>
      %dot_general3A_329 = arith.constant dense<0.000000e+00> : vector<2048x128xf32>
      %dot_general3A_330 = tpu.matmul %get3A_325, %get3A_328, %dot_general3A_329 {dimension_numbers = #tpu.dot_dimension_numbers<[1], [1], [0], [0], [0, 0, 1, 0], [], []>, transpose_lhs_hint = false} : vector<2048x1024xf32>, vector<128x1024xf32>, vector<2048x128xf32> -> vector<2048x128xf32>
      %get3A_331 = arith.index_cast %scan3A_292 : i32 to index
      %get3A_332 = arith.constant 0 : index
      %get3A_333 = vector.load %arg1[%get3A_331, %get3A_332] : memref<49x2048xf32, #tpu.memory_space<vmem>>, vector<1x2048xf32>
      %get3A_334 = vector.shape_cast %get3A_333 : vector<1x2048xf32> to vector<2048xf32>
      %reshape3A_335 = vector.shape_cast %get3A_334 : vector<2048xf32> to vector<2048x1xf32>
      %add3A_336 = vector.broadcast %reshape3A_335 : vector<2048x1xf32> to vector<2048x128xf32>
      %add3A_337 = arith.addf %dot_general3A_330, %add3A_336 : vector<2048x128xf32>
      %ge3A_338 = arith.constant 4 : i32
      %ge3A_339 = arith.cmpi sge, %scan3A_292, %ge3A_338 : i32
      %convert_element_type3A_340 = arith.extui %ge3A_339 : i1 to i32
      %cond3A_341 = arith.constant 0 : i32
      %cond3A_342 = arith.cmpi ne, %convert_element_type3A_340, %cond3A_341 : i32
      scf.if %cond3A_342 {
        %sub3A_431 = arith.constant 4 : i32
        %sub3A_432 = arith.subi %scan3A_292, %sub3A_431 : i32
        %rem3A_433 = arith.constant 4 : i32
        %rem3A_434 = arith.remsi %sub3A_432, %rem3A_433 : i32
        %mul3A_435 = arith.constant 2048 : i32
        %mul3A_436 = arith.muli %sub3A_432, %mul3A_435 : i32
        %dma_wait3A_437 = tpu.memref_slice %arg7[%rem3A_434] : memref<4x!tpu.dma_semaphore, #tpu.memory_space<semaphore_mem>> -> memref<1x!tpu.dma_semaphore, #tpu.memory_space<semaphore_mem>>
        %dma_wait3A_438 = tpu.memref_squeeze %dma_wait3A_437 : memref<1x!tpu.dma_semaphore, #tpu.memory_space<semaphore_mem>> -> memref<!tpu.dma_semaphore, #tpu.memory_space<semaphore_mem>>
        %dma_wait3A_439 = arith.constant 0 : i32
        %dma_wait3A_440 = tpu.memref_slice %arg3[%mul3A_436, %dma_wait3A_439] : memref<100000x128xf32, #tpu.memory_space<hbm>> -> memref<2048x128xf32, #tpu.memory_space<hbm>>
        %dma_wait3A_441 = arith.constant 0 : i32
        %dma_wait3A_442 = arith.constant 0 : i32
        %dma_wait3A_443 = tpu.memref_slice %arg5[%rem3A_434, %dma_wait3A_441, %dma_wait3A_442] : memref<4x2048x128xf32, #tpu.memory_space<vmem>> -> memref<1x2048x128xf32, #tpu.memory_space<vmem>>
        %dma_wait3A_444 = tpu.memref_squeeze %dma_wait3A_443 : memref<1x2048x128xf32, #tpu.memory_space<vmem>> -> memref<2048x128xf32, #tpu.memory_space<vmem>>
        tpu.wait_dma2 semaphore(%dma_wait3A_438 : memref<!tpu.dma_semaphore, #tpu.memory_space<semaphore_mem>>) src(%dma_wait3A_444 : memref<2048x128xf32, #tpu.memory_space<vmem>>) dst(%dma_wait3A_440 : memref<2048x128xf32, #tpu.memory_space<hbm>>)
      } else {
      }
      %swap3A_343 = arith.index_cast %rem3A_308 : i32 to index
      %swap3A_344 = arith.constant 0 : index
      %swap3A_345 = arith.constant 0 : index
      %swap3A_346 = vector.load %arg5[%swap3A_343, %swap3A_344, %swap3A_345] : memref<4x2048x128xf32, #tpu.memory_space<vmem>>, vector<1x2048x128xf32>
      %swap3A_347 = vector.shape_cast %swap3A_346 : vector<1x2048x128xf32> to vector<2048x128xf32>
      %swap3A_348 = vector.shape_cast %add3A_337 : vector<2048x128xf32> to vector<1x2048x128xf32>
      tpu.vector_store %arg5[%swap3A_343, %swap3A_344, %swap3A_345], %swap3A_348 {strides = array<i32>} : memref<4x2048x128xf32, #tpu.memory_space<vmem>>, vector<1x2048x128xf32>,
      %rem3A_349 = arith.constant 4 : i32
      %rem3A_350 = arith.remsi %scan3A_292, %rem3A_349 : i32
      %mul3A_351 = arith.constant 2048 : i32
      %mul3A_352 = arith.muli %scan3A_292, %mul3A_351 : i32
      %dma_start3A_353 = tpu.memref_slice %arg7[%rem3A_350] : memref<4x!tpu.dma_semaphore, #tpu.memory_space<semaphore_mem>> -> memref<1x!tpu.dma_semaphore, #tpu.memory_space<semaphore_mem>>
      %dma_start3A_354 = tpu.memref_squeeze %dma_start3A_353 : memref<1x!tpu.dma_semaphore, #tpu.memory_space<semaphore_mem>> -> memref<!tpu.dma_semaphore, #tpu.memory_space<semaphore_mem>>
      %dma_start3A_355 = arith.constant 0 : i32
      %dma_start3A_356 = tpu.memref_slice %arg3[%mul3A_352, %dma_start3A_355] : memref<100000x128xf32, #tpu.memory_space<hbm>> -> memref<2048x128xf32, #tpu.memory_space<hbm>>
      %dma_start3A_357 = arith.constant 0 : i32
      %dma_start3A_358 = arith.constant 0 : i32
      %dma_start3A_359 = tpu.memref_slice %arg5[%rem3A_350, %dma_start3A_357, %dma_start3A_358] : memref<4x2048x128xf32, #tpu.memory_space<vmem>> -> memref<1x2048x128xf32, #tpu.memory_space<vmem>>
      %dma_start3A_360 = tpu.memref_squeeze %dma_start3A_359 : memref<1x2048x128xf32, #tpu.memory_space<vmem>> -> memref<2048x128xf32, #tpu.memory_space<vmem>>
      tpu.enqueue_dma source(%dma_start3A_360 : memref<2048x128xf32, #tpu.memory_space<vmem>>) target(%dma_start3A_356 : memref<2048x128xf32, #tpu.memory_space<hbm>>) target_semaphore(%dma_start3A_354 : memref<!tpu.dma_semaphore, #tpu.memory_space<semaphore_mem>>)
      %scan3A_361 = arith.constant 3 : i32
      %scan3A_362 = arith.addi %scan3A_154, %scan3A_361 : i32
      %add3A_363 = arith.constant 4 : i32
      %add3A_364 = arith.addi %scan3A_362, %add3A_363 : i32
      %sub3A_365 = arith.constant 1 : i32
      %sub3A_366 = arith.subi %add3A_364, %sub3A_365 : i32
      %lt3A_367 = arith.constant 48 : i32
      %lt3A_368 = arith.cmpi slt, %sub3A_366, %lt3A_367 : i32
      %convert_element_type3A_369 = arith.extui %lt3A_368 : i1 to i32
      %cond3A_370 = arith.constant 0 : i32
      %cond3A_371 = arith.cmpi ne, %convert_element_type3A_369, %cond3A_370 : i32
      scf.if %cond3A_371 {
        %rem3A_431 = arith.constant 4 : i32
        %rem3A_432 = arith.remsi %sub3A_366, %rem3A_431 : i32
        %mul3A_433 = arith.constant 2048 : i32
        %mul3A_434 = arith.muli %sub3A_366, %mul3A_433 : i32
        %add3A_435 = arith.constant 0 : i32
        %add3A_436 = arith.addi %mul3A_434, %add3A_435 : i32
        %dma_start3A_437 = tpu.memref_slice %arg6[%rem3A_432] : memref<4x!tpu.dma_semaphore, #tpu.memory_space<semaphore_mem>> -> memref<1x!tpu.dma_semaphore, #tpu.memory_space<semaphore_mem>>
        %dma_start3A_438 = tpu.memref_squeeze %dma_start3A_437 : memref<1x!tpu.dma_semaphore, #tpu.memory_space<semaphore_mem>> -> memref<!tpu.dma_semaphore, #tpu.memory_space<semaphore_mem>>
        %dma_start3A_439 = arith.constant 0 : i32
        %dma_start3A_440 = arith.constant 0 : i32
        %dma_start3A_441 = tpu.memref_slice %arg4[%rem3A_432, %dma_start3A_439, %dma_start3A_440] : memref<4x2048x1024xf32, #tpu.memory_space<vmem>> -> memref<1x512x1024xf32, #tpu.memory_space<vmem>>
        %dma_start3A_442 = tpu.memref_squeeze %dma_start3A_441 : memref<1x512x1024xf32, #tpu.memory_space<vmem>> -> memref<512x1024xf32, #tpu.memory_space<vmem>>
        %dma_start3A_443 = arith.constant 0 : i32
        %dma_start3A_444 = tpu.memref_slice %arg2[%add3A_436, %dma_start3A_443] : memref<100000x1024xf32, #tpu.memory_space<hbm>> -> memref<512x1024xf32, #tpu.memory_space<hbm>>
        tpu.enqueue_dma source(%dma_start3A_444 : memref<512x1024xf32, #tpu.memory_space<hbm>>) target(%dma_start3A_442 : memref<512x1024xf32, #tpu.memory_space<vmem>>) target_semaphore(%dma_start3A_438 : memref<!tpu.dma_semaphore, #tpu.memory_space<semaphore_mem>>)
        %mul3A_445 = arith.constant 2048 : i32
        %mul3A_446 = arith.muli %sub3A_366, %mul3A_445 : i32
        %add3A_447 = arith.constant 512 : i32
        %add3A_448 = arith.addi %mul3A_446, %add3A_447 : i32
        %dma_start3A_449 = tpu.memref_slice %arg6[%rem3A_432] : memref<4x!tpu.dma_semaphore, #tpu.memory_space<semaphore_mem>> -> memref<1x!tpu.dma_semaphore, #tpu.memory_space<semaphore_mem>>
        %dma_start3A_450 = tpu.memref_squeeze %dma_start3A_449 : memref<1x!tpu.dma_semaphore, #tpu.memory_space<semaphore_mem>> -> memref<!tpu.dma_semaphore, #tpu.memory_space<semaphore_mem>>
        %dma_start3A_451 = arith.constant 512 : i32
        %dma_start3A_452 = arith.constant 0 : i32
        %dma_start3A_453 = tpu.memref_slice %arg4[%rem3A_432, %dma_start3A_451, %dma_start3A_452] : memref<4x2048x1024xf32, #tpu.memory_space<vmem>> -> memref<1x512x1024xf32, #tpu.memory_space<vmem>>
        %dma_start3A_454 = tpu.memref_squeeze %dma_start3A_453 : memref<1x512x1024xf32, #tpu.memory_space<vmem>> -> memref<512x1024xf32, #tpu.memory_space<vmem>>
        %dma_start3A_455 = arith.constant 0 : i32
        %dma_start3A_456 = tpu.memref_slice %arg2[%add3A_448, %dma_start3A_455] : memref<100000x1024xf32, #tpu.memory_space<hbm>> -> memref<512x1024xf32, #tpu.memory_space<hbm>>
        tpu.enqueue_dma source(%dma_start3A_456 : memref<512x1024xf32, #tpu.memory_space<hbm>>) target(%dma_start3A_454 : memref<512x1024xf32, #tpu.memory_space<vmem>>) target_semaphore(%dma_start3A_450 : memref<!tpu.dma_semaphore, #tpu.memory_space<semaphore_mem>>)
        %mul3A_457 = arith.constant 2048 : i32
        %mul3A_458 = arith.muli %sub3A_366, %mul3A_457 : i32
        %add3A_459 = arith.constant 1024 : i32
        %add3A_460 = arith.addi %mul3A_458, %add3A_459 : i32
        %dma_start3A_461 = tpu.memref_slice %arg6[%rem3A_432] : memref<4x!tpu.dma_semaphore, #tpu.memory_space<semaphore_mem>> -> memref<1x!tpu.dma_semaphore, #tpu.memory_space<semaphore_mem>>
        %dma_start3A_462 = tpu.memref_squeeze %dma_start3A_461 : memref<1x!tpu.dma_semaphore, #tpu.memory_space<semaphore_mem>> -> memref<!tpu.dma_semaphore, #tpu.memory_space<semaphore_mem>>
        %dma_start3A_463 = arith.constant 1024 : i32
        %dma_start3A_464 = arith.constant 0 : i32
        %dma_start3A_465 = tpu.memref_slice %arg4[%rem3A_432, %dma_start3A_463, %dma_start3A_464] : memref<4x2048x1024xf32, #tpu.memory_space<vmem>> -> memref<1x512x1024xf32, #tpu.memory_space<vmem>>
        %dma_start3A_466 = tpu.memref_squeeze %dma_start3A_465 : memref<1x512x1024xf32, #tpu.memory_space<vmem>> -> memref<512x1024xf32, #tpu.memory_space<vmem>>
        %dma_start3A_467 = arith.constant 0 : i32
        %dma_start3A_468 = tpu.memref_slice %arg2[%add3A_460, %dma_start3A_467] : memref<100000x1024xf32, #tpu.memory_space<hbm>> -> memref<512x1024xf32, #tpu.memory_space<hbm>>
        tpu.enqueue_dma source(%dma_start3A_468 : memref<512x1024xf32, #tpu.memory_space<hbm>>) target(%dma_start3A_466 : memref<512x1024xf32, #tpu.memory_space<vmem>>) target_semaphore(%dma_start3A_462 : memref<!tpu.dma_semaphore, #tpu.memory_space<semaphore_mem>>)
        %mul3A_469 = arith.constant 2048 : i32
        %mul3A_470 = arith.muli %sub3A_366, %mul3A_469 : i32
        %add3A_471 = arith.constant 1536 : i32
        %add3A_472 = arith.addi %mul3A_470, %add3A_471 : i32
        %dma_start3A_473 = tpu.memref_slice %arg6[%rem3A_432] : memref<4x!tpu.dma_semaphore, #tpu.memory_space<semaphore_mem>> -> memref<1x!tpu.dma_semaphore, #tpu.memory_space<semaphore_mem>>
        %dma_start3A_474 = tpu.memref_squeeze %dma_start3A_473 : memref<1x!tpu.dma_semaphore, #tpu.memory_space<semaphore_mem>> -> memref<!tpu.dma_semaphore, #tpu.memory_space<semaphore_mem>>
        %dma_start3A_475 = arith.constant 1536 : i32
        %dma_start3A_476 = arith.constant 0 : i32
        %dma_start3A_477 = tpu.memref_slice %arg4[%rem3A_432, %dma_start3A_475, %dma_start3A_476] : memref<4x2048x1024xf32, #tpu.memory_space<vmem>> -> memref<1x512x1024xf32, #tpu.memory_space<vmem>>
        %dma_start3A_478 = tpu.memref_squeeze %dma_start3A_477 : memref<1x512x1024xf32, #tpu.memory_space<vmem>> -> memref<512x1024xf32, #tpu.memory_space<vmem>>
        %dma_start3A_479 = arith.constant 0 : i32
        %dma_start3A_480 = tpu.memref_slice %arg2[%add3A_472, %dma_start3A_479] : memref<100000x1024xf32, #tpu.memory_space<hbm>> -> memref<512x1024xf32, #tpu.memory_space<hbm>>
        tpu.enqueue_dma source(%dma_start3A_480 : memref<512x1024xf32, #tpu.memory_space<hbm>>) target(%dma_start3A_478 : memref<512x1024xf32, #tpu.memory_space<vmem>>) target_semaphore(%dma_start3A_474 : memref<!tpu.dma_semaphore, #tpu.memory_space<semaphore_mem>>)
      } else {
      }
      %eq3A_372 = arith.constant 48 : i32
      %eq3A_373 = arith.cmpi eq, %sub3A_366, %eq3A_372 : i32
      %convert_element_type3A_374 = arith.extui %eq3A_373 : i1 to i32
      %cond3A_375 = arith.constant 0 : i32
      %cond3A_376 = arith.cmpi ne, %convert_element_type3A_374, %cond3A_375 : i32
      scf.if %cond3A_376 {
        %rem3A_431 = arith.constant 4 : i32
        %rem3A_432 = arith.remsi %sub3A_366, %rem3A_431 : i32
        %mul3A_433 = arith.constant 2048 : i32
        %mul3A_434 = arith.muli %sub3A_366, %mul3A_433 : i32
        %add3A_435 = arith.constant 0 : i32
        %add3A_436 = arith.addi %mul3A_434, %add3A_435 : i32
        %dma_start3A_437 = tpu.memref_slice %arg6[%rem3A_432] : memref<4x!tpu.dma_semaphore, #tpu.memory_space<semaphore_mem>> -> memref<1x!tpu.dma_semaphore, #tpu.memory_space<semaphore_mem>>
        %dma_start3A_438 = tpu.memref_squeeze %dma_start3A_437 : memref<1x!tpu.dma_semaphore, #tpu.memory_space<semaphore_mem>> -> memref<!tpu.dma_semaphore, #tpu.memory_space<semaphore_mem>>
        %dma_start3A_439 = arith.constant 0 : i32
        %dma_start3A_440 = arith.constant 0 : i32
        %dma_start3A_441 = tpu.memref_slice %arg4[%rem3A_432, %dma_start3A_439, %dma_start3A_440] : memref<4x2048x1024xf32, #tpu.memory_space<vmem>> -> memref<1x512x1024xf32, #tpu.memory_space<vmem>>
        %dma_start3A_442 = tpu.memref_squeeze %dma_start3A_441 : memref<1x512x1024xf32, #tpu.memory_space<vmem>> -> memref<512x1024xf32, #tpu.memory_space<vmem>>
        %dma_start3A_443 = arith.constant 0 : i32
        %dma_start3A_444 = tpu.memref_slice %arg2[%add3A_436, %dma_start3A_443] : memref<100000x1024xf32, #tpu.memory_space<hbm>> -> memref<512x1024xf32, #tpu.memory_space<hbm>>
        tpu.enqueue_dma source(%dma_start3A_444 : memref<512x1024xf32, #tpu.memory_space<hbm>>) target(%dma_start3A_442 : memref<512x1024xf32, #tpu.memory_space<vmem>>) target_semaphore(%dma_start3A_438 : memref<!tpu.dma_semaphore, #tpu.memory_space<semaphore_mem>>)
        %mul3A_445 = arith.constant 2048 : i32
        %mul3A_446 = arith.muli %sub3A_366, %mul3A_445 : i32
        %add3A_447 = arith.constant 512 : i32
        %add3A_448 = arith.addi %mul3A_446, %add3A_447 : i32
        %dma_start3A_449 = tpu.memref_slice %arg6[%rem3A_432] : memref<4x!tpu.dma_semaphore, #tpu.memory_space<semaphore_mem>> -> memref<1x!tpu.dma_semaphore, #tpu.memory_space<semaphore_mem>>
        %dma_start3A_450 = tpu.memref_squeeze %dma_start3A_449 : memref<1x!tpu.dma_semaphore, #tpu.memory_space<semaphore_mem>> -> memref<!tpu.dma_semaphore, #tpu.memory_space<semaphore_mem>>
        %dma_start3A_451 = arith.constant 512 : i32
        %dma_start3A_452 = arith.constant 0 : i32
        %dma_start3A_453 = tpu.memref_slice %arg4[%rem3A_432, %dma_start3A_451, %dma_start3A_452] : memref<4x2048x1024xf32, #tpu.memory_space<vmem>> -> memref<1x512x1024xf32, #tpu.memory_space<vmem>>
        %dma_start3A_454 = tpu.memref_squeeze %dma_start3A_453 : memref<1x512x1024xf32, #tpu.memory_space<vmem>> -> memref<512x1024xf32, #tpu.memory_space<vmem>>
        %dma_start3A_455 = arith.constant 0 : i32
        %dma_start3A_456 = tpu.memref_slice %arg2[%add3A_448, %dma_start3A_455] : memref<100000x1024xf32, #tpu.memory_space<hbm>> -> memref<512x1024xf32, #tpu.memory_space<hbm>>
        tpu.enqueue_dma source(%dma_start3A_456 : memref<512x1024xf32, #tpu.memory_space<hbm>>) target(%dma_start3A_454 : memref<512x1024xf32, #tpu.memory_space<vmem>>) target_semaphore(%dma_start3A_450 : memref<!tpu.dma_semaphore, #tpu.memory_space<semaphore_mem>>)
        %mul3A_457 = arith.constant 2048 : i32
        %mul3A_458 = arith.muli %sub3A_366, %mul3A_457 : i32
        %add3A_459 = arith.constant 1024 : i32
        %add3A_460 = arith.addi %mul3A_458, %add3A_459 : i32
        %dma_start3A_461 = tpu.memref_slice %arg6[%rem3A_432] : memref<4x!tpu.dma_semaphore, #tpu.memory_space<semaphore_mem>> -> memref<1x!tpu.dma_semaphore, #tpu.memory_space<semaphore_mem>>
        %dma_start3A_462 = tpu.memref_squeeze %dma_start3A_461 : memref<1x!tpu.dma_semaphore, #tpu.memory_space<semaphore_mem>> -> memref<!tpu.dma_semaphore, #tpu.memory_space<semaphore_mem>>
        %dma_start3A_463 = arith.constant 1024 : i32
        %dma_start3A_464 = arith.constant 0 : i32
        %dma_start3A_465 = tpu.memref_slice %arg4[%rem3A_432, %dma_start3A_463, %dma_start3A_464] : memref<4x2048x1024xf32, #tpu.memory_space<vmem>> -> memref<1x512x1024xf32, #tpu.memory_space<vmem>>
        %dma_start3A_466 = tpu.memref_squeeze %dma_start3A_465 : memref<1x512x1024xf32, #tpu.memory_space<vmem>> -> memref<512x1024xf32, #tpu.memory_space<vmem>>
        %dma_start3A_467 = arith.constant 0 : i32
        %dma_start3A_468 = tpu.memref_slice %arg2[%add3A_460, %dma_start3A_467] : memref<100000x1024xf32, #tpu.memory_space<hbm>> -> memref<512x1024xf32, #tpu.memory_space<hbm>>
        tpu.enqueue_dma source(%dma_start3A_468 : memref<512x1024xf32, #tpu.memory_space<hbm>>) target(%dma_start3A_466 : memref<512x1024xf32, #tpu.memory_space<vmem>>) target_semaphore(%dma_start3A_462 : memref<!tpu.dma_semaphore, #tpu.memory_space<semaphore_mem>>)
        %mul3A_469 = arith.constant 2048 : i32
        %mul3A_470 = arith.muli %sub3A_366, %mul3A_469 : i32
        %add3A_471 = arith.constant 1536 : i32
        %add3A_472 = arith.addi %mul3A_470, %add3A_471 : i32
        %dma_start3A_473 = tpu.memref_slice %arg6[%rem3A_432] : memref<4x!tpu.dma_semaphore, #tpu.memory_space<semaphore_mem>> -> memref<1x!tpu.dma_semaphore, #tpu.memory_space<semaphore_mem>>
        %dma_start3A_474 = tpu.memref_squeeze %dma_start3A_473 : memref<1x!tpu.dma_semaphore, #tpu.memory_space<semaphore_mem>> -> memref<!tpu.dma_semaphore, #tpu.memory_space<semaphore_mem>>
        %dma_start3A_475 = arith.constant 1536 : i32
        %dma_start3A_476 = arith.constant 0 : i32
        %dma_start3A_477 = tpu.memref_slice %arg4[%rem3A_432, %dma_start3A_475, %dma_start3A_476] : memref<4x2048x1024xf32, #tpu.memory_space<vmem>> -> memref<1x160x1024xf32, #tpu.memory_space<vmem>>
        %dma_start3A_478 = tpu.memref_squeeze %dma_start3A_477 : memref<1x160x1024xf32, #tpu.memory_space<vmem>> -> memref<160x1024xf32, #tpu.memory_space<vmem>>
        %dma_start3A_479 = arith.constant 0 : i32
        %dma_start3A_480 = tpu.memref_slice %arg2[%add3A_472, %dma_start3A_479] : memref<100000x1024xf32, #tpu.memory_space<hbm>> -> memref<160x1024xf32, #tpu.memory_space<hbm>>
        tpu.enqueue_dma source(%dma_start3A_480 : memref<160x1024xf32, #tpu.memory_space<hbm>>) target(%dma_start3A_478 : memref<160x1024xf32, #tpu.memory_space<vmem>>) target_semaphore(%dma_start3A_474 : memref<!tpu.dma_semaphore, #tpu.memory_space<semaphore_mem>>)
      } else {
      }
      %rem3A_377 = arith.constant 4 : i32
      %rem3A_378 = arith.remsi %scan3A_362, %rem3A_377 : i32
      %rem3A_379 = arith.constant 4 : i32
      %rem3A_380 = arith.remsi %scan3A_362, %rem3A_379 : i32
      %mul3A_381 = arith.constant 2048 : i32
      %mul3A_382 = arith.muli %scan3A_362, %mul3A_381 : i32
      %dma_wait3A_383 = tpu.memref_slice %arg6[%rem3A_380] : memref<4x!tpu.dma_semaphore, #tpu.memory_space<semaphore_mem>> -> memref<1x!tpu.dma_semaphore, #tpu.memory_space<semaphore_mem>>
      %dma_wait3A_384 = tpu.memref_squeeze %dma_wait3A_383 : memref<1x!tpu.dma_semaphore, #tpu.memory_space<semaphore_mem>> -> memref<!tpu.dma_semaphore, #tpu.memory_space<semaphore_mem>>
      %dma_wait3A_385 = arith.constant 0 : i32
      %dma_wait3A_386 = arith.constant 0 : i32
      %dma_wait3A_387 = tpu.memref_slice %arg4[%rem3A_380, %dma_wait3A_385, %dma_wait3A_386] : memref<4x2048x1024xf32, #tpu.memory_space<vmem>> -> memref<1x2048x1024xf32, #tpu.memory_space<vmem>>
      %dma_wait3A_388 = tpu.memref_squeeze %dma_wait3A_387 : memref<1x2048x1024xf32, #tpu.memory_space<vmem>> -> memref<2048x1024xf32, #tpu.memory_space<vmem>>
      %dma_wait3A_389 = arith.constant 0 : i32
      %dma_wait3A_390 = tpu.memref_slice %arg2[%mul3A_382, %dma_wait3A_389] : memref<100000x1024xf32, #tpu.memory_space<hbm>> -> memref<2048x1024xf32, #tpu.memory_space<hbm>>
      tpu.wait_dma2 semaphore(%dma_wait3A_384 : memref<!tpu.dma_semaphore, #tpu.memory_space<semaphore_mem>>) src(%dma_wait3A_390 : memref<2048x1024xf32, #tpu.memory_space<hbm>>) dst(%dma_wait3A_388 : memref<2048x1024xf32, #tpu.memory_space<vmem>>)
      %get3A_391 = arith.index_cast %rem3A_378 : i32 to index
      %get3A_392 = arith.constant 0 : index
      %get3A_393 = arith.constant 0 : index
      %get3A_394 = vector.load %arg4[%get3A_391, %get3A_392, %get3A_393] : memref<4x2048x1024xf32, #tpu.memory_space<vmem>>, vector<1x2048x1024xf32>
      %get3A_395 = vector.shape_cast %get3A_394 : vector<1x2048x1024xf32> to vector<2048x1024xf32>
      %get3A_396 = arith.constant 0 : index
      %get3A_397 = arith.constant 0 : index
      %get3A_398 = vector.load %arg0[%get3A_396, %get3A_397] : memref<128x1024xf32, #tpu.memory_space<vmem>>, vector<128x1024xf32>
      %dot_general3A_399 = arith.constant dense<0.000000e+00> : vector<2048x128xf32>
      %dot_general3A_400 = tpu.matmul %get3A_395, %get3A_398, %dot_general3A_399 {dimension_numbers = #tpu.dot_dimension_numbers<[1], [1], [0], [0], [0, 0, 1, 0], [], []>, transpose_lhs_hint = false} : vector<2048x1024xf32>, vector<128x1024xf32>, vector<2048x128xf32> -> vector<2048x128xf32>
      %get3A_401 = arith.index_cast %scan3A_362 : i32 to index
      %get3A_402 = arith.constant 0 : index
      %get3A_403 = vector.load %arg1[%get3A_401, %get3A_402] : memref<49x2048xf32, #tpu.memory_space<vmem>>, vector<1x2048xf32>
      %get3A_404 = vector.shape_cast %get3A_403 : vector<1x2048xf32> to vector<2048xf32>
      %reshape3A_405 = vector.shape_cast %get3A_404 : vector<2048xf32> to vector<2048x1xf32>
      %add3A_406 = vector.broadcast %reshape3A_405 : vector<2048x1xf32> to vector<2048x128xf32>
      %add3A_407 = arith.addf %dot_general3A_400, %add3A_406 : vector<2048x128xf32>
      %ge3A_408 = arith.constant 4 : i32
      %ge3A_409 = arith.cmpi sge, %scan3A_362, %ge3A_408 : i32
      %convert_element_type3A_410 = arith.extui %ge3A_409 : i1 to i32
      %cond3A_411 = arith.constant 0 : i32
      %cond3A_412 = arith.cmpi ne, %convert_element_type3A_410, %cond3A_411 : i32
      scf.if %cond3A_412 {
        %sub3A_431 = arith.constant 4 : i32
        %sub3A_432 = arith.subi %scan3A_362, %sub3A_431 : i32
        %rem3A_433 = arith.constant 4 : i32
        %rem3A_434 = arith.remsi %sub3A_432, %rem3A_433 : i32
        %mul3A_435 = arith.constant 2048 : i32
        %mul3A_436 = arith.muli %sub3A_432, %mul3A_435 : i32
        %dma_wait3A_437 = tpu.memref_slice %arg7[%rem3A_434] : memref<4x!tpu.dma_semaphore, #tpu.memory_space<semaphore_mem>> -> memref<1x!tpu.dma_semaphore, #tpu.memory_space<semaphore_mem>>
        %dma_wait3A_438 = tpu.memref_squeeze %dma_wait3A_437 : memref<1x!tpu.dma_semaphore, #tpu.memory_space<semaphore_mem>> -> memref<!tpu.dma_semaphore, #tpu.memory_space<semaphore_mem>>
        %dma_wait3A_439 = arith.constant 0 : i32
        %dma_wait3A_440 = tpu.memref_slice %arg3[%mul3A_436, %dma_wait3A_439] : memref<100000x128xf32, #tpu.memory_space<hbm>> -> memref<2048x128xf32, #tpu.memory_space<hbm>>
        %dma_wait3A_441 = arith.constant 0 : i32
        %dma_wait3A_442 = arith.constant 0 : i32
        %dma_wait3A_443 = tpu.memref_slice %arg5[%rem3A_434, %dma_wait3A_441, %dma_wait3A_442] : memref<4x2048x128xf32, #tpu.memory_space<vmem>> -> memref<1x2048x128xf32, #tpu.memory_space<vmem>>
        %dma_wait3A_444 = tpu.memref_squeeze %dma_wait3A_443 : memref<1x2048x128xf32, #tpu.memory_space<vmem>> -> memref<2048x128xf32, #tpu.memory_space<vmem>>
        tpu.wait_dma2 semaphore(%dma_wait3A_438 : memref<!tpu.dma_semaphore, #tpu.memory_space<semaphore_mem>>) src(%dma_wait3A_444 : memref<2048x128xf32, #tpu.memory_space<vmem>>) dst(%dma_wait3A_440 : memref<2048x128xf32, #tpu.memory_space<hbm>>)
      } else {
      }
      %swap3A_413 = arith.index_cast %rem3A_378 : i32 to index
      %swap3A_414 = arith.constant 0 : index
      %swap3A_415 = arith.constant 0 : index
      %swap3A_416 = vector.load %arg5[%swap3A_413, %swap3A_414, %swap3A_415] : memref<4x2048x128xf32, #tpu.memory_space<vmem>>, vector<1x2048x128xf32>
      %swap3A_417 = vector.shape_cast %swap3A_416 : vector<1x2048x128xf32> to vector<2048x128xf32>
      %swap3A_418 = vector.shape_cast %add3A_407 : vector<2048x128xf32> to vector<1x2048x128xf32>
      tpu.vector_store %arg5[%swap3A_413, %swap3A_414, %swap3A_415], %swap3A_418 {strides = array<i32>} : memref<4x2048x128xf32, #tpu.memory_space<vmem>>, vector<1x2048x128xf32>,
      %rem3A_419 = arith.constant 4 : i32
      %rem3A_420 = arith.remsi %scan3A_362, %rem3A_419 : i32
      %mul3A_421 = arith.constant 2048 : i32
      %mul3A_422 = arith.muli %scan3A_362, %mul3A_421 : i32
      %dma_start3A_423 = tpu.memref_slice %arg7[%rem3A_420] : memref<4x!tpu.dma_semaphore, #tpu.memory_space<semaphore_mem>> -> memref<1x!tpu.dma_semaphore, #tpu.memory_space<semaphore_mem>>
      %dma_start3A_424 = tpu.memref_squeeze %dma_start3A_423 : memref<1x!tpu.dma_semaphore, #tpu.memory_space<semaphore_mem>> -> memref<!tpu.dma_semaphore, #tpu.memory_space<semaphore_mem>>
      %dma_start3A_425 = arith.constant 0 : i32
      %dma_start3A_426 = tpu.memref_slice %arg3[%mul3A_422, %dma_start3A_425] : memref<100000x128xf32, #tpu.memory_space<hbm>> -> memref<2048x128xf32, #tpu.memory_space<hbm>>
      %dma_start3A_427 = arith.constant 0 : i32
      %dma_start3A_428 = arith.constant 0 : i32
      %dma_start3A_429 = tpu.memref_slice %arg5[%rem3A_420, %dma_start3A_427, %dma_start3A_428] : memref<4x2048x128xf32, #tpu.memory_space<vmem>> -> memref<1x2048x128xf32, #tpu.memory_space<vmem>>
      %dma_start3A_430 = tpu.memref_squeeze %dma_start3A_429 : memref<1x2048x128xf32, #tpu.memory_space<vmem>> -> memref<2048x128xf32, #tpu.memory_space<vmem>>
      tpu.enqueue_dma source(%dma_start3A_430 : memref<2048x128xf32, #tpu.memory_space<vmem>>) target(%dma_start3A_426 : memref<2048x128xf32, #tpu.memory_space<hbm>>) target_semaphore(%dma_start3A_424 : memref<!tpu.dma_semaphore, #tpu.memory_space<semaphore_mem>>)
    }
    %scan3A_41 = arith.constant 48 : i32
    %rem3A = arith.constant 48 : i32
    %rem3A_42 = arith.constant 4 : i32
    %rem3A_43 = arith.remsi %rem3A, %rem3A_42 : i32
    %mul3A = arith.constant 48 : i32
    %mul3A_44 = arith.constant 2048 : i32
    %mul3A_45 = arith.muli %mul3A, %mul3A_44 : i32
    %dma_wait3A = tpu.memref_slice %arg6[%rem3A_43] : memref<4x!tpu.dma_semaphore, #tpu.memory_space<semaphore_mem>> -> memref<1x!tpu.dma_semaphore, #tpu.memory_space<semaphore_mem>>
    %dma_wait3A_46 = tpu.memref_squeeze %dma_wait3A : memref<1x!tpu.dma_semaphore, #tpu.memory_space<semaphore_mem>> -> memref<!tpu.dma_semaphore, #tpu.memory_space<semaphore_mem>>
    %dma_wait3A_47 = arith.constant 0 : i32
    %dma_wait3A_48 = arith.constant 0 : i32
    %dma_wait3A_49 = tpu.memref_slice %arg4[%rem3A_43, %dma_wait3A_47, %dma_wait3A_48] : memref<4x2048x1024xf32, #tpu.memory_space<vmem>> -> memref<1x1696x1024xf32, #tpu.memory_space<vmem>>
    %dma_wait3A_50 = tpu.memref_squeeze %dma_wait3A_49 : memref<1x1696x1024xf32, #tpu.memory_space<vmem>> -> memref<1696x1024xf32, #tpu.memory_space<vmem>>
    %dma_wait3A_51 = arith.constant 0 : i32
    %dma_wait3A_52 = tpu.memref_slice %arg2[%mul3A_45, %dma_wait3A_51] : memref<100000x1024xf32, #tpu.memory_space<hbm>> -> memref<1696x1024xf32, #tpu.memory_space<hbm>>
    tpu.wait_dma2 semaphore(%dma_wait3A_46 : memref<!tpu.dma_semaphore, #tpu.memory_space<semaphore_mem>>) src(%dma_wait3A_52 : memref<1696x1024xf32, #tpu.memory_space<hbm>>) dst(%dma_wait3A_50 : memref<1696x1024xf32, #tpu.memory_space<vmem>>)
    %get3A = arith.constant 0 : index
    %get3A_53 = arith.constant 0 : index
    %get3A_54 = arith.constant 0 : index
    %get3A_55 = vector.load %arg4[%get3A, %get3A_53, %get3A_54] : memref<4x2048x1024xf32, #tpu.memory_space<vmem>>, vector<1x1696x1024xf32>
    %get3A_56 = vector.shape_cast %get3A_55 : vector<1x1696x1024xf32> to vector<1696x1024xf32>
    %get3A_57 = arith.constant 0 : index
    %get3A_58 = arith.constant 0 : index
    %get3A_59 = vector.load %arg0[%get3A_57, %get3A_58] : memref<128x1024xf32, #tpu.memory_space<vmem>>, vector<128x1024xf32>
    %dot_general3A = arith.constant dense<0.000000e+00> : vector<1696x128xf32>
    %dot_general3A_60 = tpu.matmul %get3A_56, %get3A_59, %dot_general3A {dimension_numbers = #tpu.dot_dimension_numbers<[1], [1], [0], [0], [0, 0, 1, 0], [], []>, transpose_lhs_hint = false} : vector<1696x1024xf32>, vector<128x1024xf32>, vector<1696x128xf32> -> vector<1696x128xf32>
    %get3A_61 = arith.constant 48 : index
    %get3A_62 = arith.constant 0 : index
    %get3A_63 = vector.load %arg1[%get3A_61, %get3A_62] : memref<49x2048xf32, #tpu.memory_space<vmem>>, vector<1x1696xf32>
    %get3A_64 = vector.shape_cast %get3A_63 : vector<1x1696xf32> to vector<1696xf32>
    %reshape3A = vector.shape_cast %get3A_64 : vector<1696xf32> to vector<1696x1xf32>
    %add3A = vector.broadcast %reshape3A : vector<1696x1xf32> to vector<1696x128xf32>
    %add3A_65 = arith.addf %dot_general3A_60, %add3A : vector<1696x128xf32>
    %rem3A_66 = arith.constant 44 : i32
    %rem3A_67 = arith.constant 4 : i32
    %rem3A_68 = arith.remsi %rem3A_66, %rem3A_67 : i32
    %mul3A_69 = arith.constant 44 : i32
    %mul3A_70 = arith.constant 2048 : i32
    %mul3A_71 = arith.muli %mul3A_69, %mul3A_70 : i32
    %dma_wait3A_72 = tpu.memref_slice %arg7[%rem3A_68] : memref<4x!tpu.dma_semaphore, #tpu.memory_space<semaphore_mem>> -> memref<1x!tpu.dma_semaphore, #tpu.memory_space<semaphore_mem>>
    %dma_wait3A_73 = tpu.memref_squeeze %dma_wait3A_72 : memref<1x!tpu.dma_semaphore, #tpu.memory_space<semaphore_mem>> -> memref<!tpu.dma_semaphore, #tpu.memory_space<semaphore_mem>>
    %dma_wait3A_74 = arith.constant 0 : i32
    %dma_wait3A_75 = tpu.memref_slice %arg3[%mul3A_71, %dma_wait3A_74] : memref<100000x128xf32, #tpu.memory_space<hbm>> -> memref<2048x128xf32, #tpu.memory_space<hbm>>
    %dma_wait3A_76 = arith.constant 0 : i32
    %dma_wait3A_77 = arith.constant 0 : i32
    %dma_wait3A_78 = tpu.memref_slice %arg5[%rem3A_68, %dma_wait3A_76, %dma_wait3A_77] : memref<4x2048x128xf32, #tpu.memory_space<vmem>> -> memref<1x2048x128xf32, #tpu.memory_space<vmem>>
    %dma_wait3A_79 = tpu.memref_squeeze %dma_wait3A_78 : memref<1x2048x128xf32, #tpu.memory_space<vmem>> -> memref<2048x128xf32, #tpu.memory_space<vmem>>
    tpu.wait_dma2 semaphore(%dma_wait3A_73 : memref<!tpu.dma_semaphore, #tpu.memory_space<semaphore_mem>>) src(%dma_wait3A_79 : memref<2048x128xf32, #tpu.memory_space<vmem>>) dst(%dma_wait3A_75 : memref<2048x128xf32, #tpu.memory_space<hbm>>)
    %swap3A = arith.constant 0 : index
    %swap3A_80 = arith.constant 0 : index
    %swap3A_81 = arith.constant 0 : index
    %swap3A_82 = vector.load %arg5[%swap3A, %swap3A_80, %swap3A_81] : memref<4x2048x128xf32, #tpu.memory_space<vmem>>, vector<1x1696x128xf32>
    %swap3A_83 = vector.shape_cast %swap3A_82 : vector<1x1696x128xf32> to vector<1696x128xf32>
    %swap3A_84 = vector.shape_cast %add3A_65 : vector<1696x128xf32> to vector<1x1696x128xf32>
    tpu.vector_store %arg5[%swap3A, %swap3A_80, %swap3A_81], %swap3A_84 {strides = array<i32>} : memref<4x2048x128xf32, #tpu.memory_space<vmem>>, vector<1x1696x128xf32>,
    %rem3A_85 = arith.constant 48 : i32
    %rem3A_86 = arith.constant 4 : i32
    %rem3A_87 = arith.remsi %rem3A_85, %rem3A_86 : i32
    %mul3A_88 = arith.constant 48 : i32
    %mul3A_89 = arith.constant 2048 : i32
    %mul3A_90 = arith.muli %mul3A_88, %mul3A_89 : i32
    %dma_start3A = tpu.memref_slice %arg7[%rem3A_87] : memref<4x!tpu.dma_semaphore, #tpu.memory_space<semaphore_mem>> -> memref<1x!tpu.dma_semaphore, #tpu.memory_space<semaphore_mem>>
    %dma_start3A_91 = tpu.memref_squeeze %dma_start3A : memref<1x!tpu.dma_semaphore, #tpu.memory_space<semaphore_mem>> -> memref<!tpu.dma_semaphore, #tpu.memory_space<semaphore_mem>>
    %dma_start3A_92 = arith.constant 0 : i32
    %dma_start3A_93 = tpu.memref_slice %arg3[%mul3A_90, %dma_start3A_92] : memref<100000x128xf32, #tpu.memory_space<hbm>> -> memref<1696x128xf32, #tpu.memory_space<hbm>>
    %dma_start3A_94 = arith.constant 0 : i32
    %dma_start3A_95 = arith.constant 0 : i32
    %dma_start3A_96 = tpu.memref_slice %arg5[%rem3A_87, %dma_start3A_94, %dma_start3A_95] : memref<4x2048x128xf32, #tpu.memory_space<vmem>> -> memref<1x1696x128xf32, #tpu.memory_space<vmem>>
    %dma_start3A_97 = tpu.memref_squeeze %dma_start3A_96 : memref<1x1696x128xf32, #tpu.memory_space<vmem>> -> memref<1696x128xf32, #tpu.memory_space<vmem>>
    tpu.enqueue_dma source(%dma_start3A_97 : memref<1696x128xf32, #tpu.memory_space<vmem>>) target(%dma_start3A_93 : memref<1696x128xf32, #tpu.memory_space<hbm>>) target_semaphore(%dma_start3A_91 : memref<!tpu.dma_semaphore, #tpu.memory_space<semaphore_mem>>)
    %rem3A_98 = arith.constant 45 : i32
    %rem3A_99 = arith.constant 4 : i32
    %rem3A_100 = arith.remsi %rem3A_98, %rem3A_99 : i32
    %mul3A_101 = arith.constant 45 : i32
    %mul3A_102 = arith.constant 2048 : i32
    %mul3A_103 = arith.muli %mul3A_101, %mul3A_102 : i32
    %dma_wait3A_104 = tpu.memref_slice %arg7[%rem3A_100] : memref<4x!tpu.dma_semaphore, #tpu.memory_space<semaphore_mem>> -> memref<1x!tpu.dma_semaphore, #tpu.memory_space<semaphore_mem>>
    %dma_wait3A_105 = tpu.memref_squeeze %dma_wait3A_104 : memref<1x!tpu.dma_semaphore, #tpu.memory_space<semaphore_mem>> -> memref<!tpu.dma_semaphore, #tpu.memory_space<semaphore_mem>>
    %dma_wait3A_106 = arith.constant 0 : i32
    %dma_wait3A_107 = tpu.memref_slice %arg3[%mul3A_103, %dma_wait3A_106] : memref<100000x128xf32, #tpu.memory_space<hbm>> -> memref<2048x128xf32, #tpu.memory_space<hbm>>
    %dma_wait3A_108 = arith.constant 0 : i32
    %dma_wait3A_109 = arith.constant 0 : i32
    %dma_wait3A_110 = tpu.memref_slice %arg5[%rem3A_100, %dma_wait3A_108, %dma_wait3A_109] : memref<4x2048x128xf32, #tpu.memory_space<vmem>> -> memref<1x2048x128xf32, #tpu.memory_space<vmem>>
    %dma_wait3A_111 = tpu.memref_squeeze %dma_wait3A_110 : memref<1x2048x128xf32, #tpu.memory_space<vmem>> -> memref<2048x128xf32, #tpu.memory_space<vmem>>
    tpu.wait_dma2 semaphore(%dma_wait3A_105 : memref<!tpu.dma_semaphore, #tpu.memory_space<semaphore_mem>>) src(%dma_wait3A_111 : memref<2048x128xf32, #tpu.memory_space<vmem>>) dst(%dma_wait3A_107 : memref<2048x128xf32, #tpu.memory_space<hbm>>)
    %rem3A_112 = arith.constant 46 : i32
    %rem3A_113 = arith.constant 4 : i32
    %rem3A_114 = arith.remsi %rem3A_112, %rem3A_113 : i32
    %mul3A_115 = arith.constant 46 : i32
    %mul3A_116 = arith.constant 2048 : i32
    %mul3A_117 = arith.muli %mul3A_115, %mul3A_116 : i32
    %dma_wait3A_118 = tpu.memref_slice %arg7[%rem3A_114] : memref<4x!tpu.dma_semaphore, #tpu.memory_space<semaphore_mem>> -> memref<1x!tpu.dma_semaphore, #tpu.memory_space<semaphore_mem>>
    %dma_wait3A_119 = tpu.memref_squeeze %dma_wait3A_118 : memref<1x!tpu.dma_semaphore, #tpu.memory_space<semaphore_mem>> -> memref<!tpu.dma_semaphore, #tpu.memory_space<semaphore_mem>>
    %dma_wait3A_120 = arith.constant 0 : i32
    %dma_wait3A_121 = tpu.memref_slice %arg3[%mul3A_117, %dma_wait3A_120] : memref<100000x128xf32, #tpu.memory_space<hbm>> -> memref<2048x128xf32, #tpu.memory_space<hbm>>
    %dma_wait3A_122 = arith.constant 0 : i32
    %dma_wait3A_123 = arith.constant 0 : i32
    %dma_wait3A_124 = tpu.memref_slice %arg5[%rem3A_114, %dma_wait3A_122, %dma_wait3A_123] : memref<4x2048x128xf32, #tpu.memory_space<vmem>> -> memref<1x2048x128xf32, #tpu.memory_space<vmem>>
    %dma_wait3A_125 = tpu.memref_squeeze %dma_wait3A_124 : memref<1x2048x128xf32, #tpu.memory_space<vmem>> -> memref<2048x128xf32, #tpu.memory_space<vmem>>
    tpu.wait_dma2 semaphore(%dma_wait3A_119 : memref<!tpu.dma_semaphore, #tpu.memory_space<semaphore_mem>>) src(%dma_wait3A_125 : memref<2048x128xf32, #tpu.memory_space<vmem>>) dst(%dma_wait3A_121 : memref<2048x128xf32, #tpu.memory_space<hbm>>)
    %rem3A_126 = arith.constant 47 : i32
    %rem3A_127 = arith.constant 4 : i32
    %rem3A_128 = arith.remsi %rem3A_126, %rem3A_127 : i32
    %mul3A_129 = arith.constant 47 : i32
    %mul3A_130 = arith.constant 2048 : i32
    %mul3A_131 = arith.muli %mul3A_129, %mul3A_130 : i32
    %dma_wait3A_132 = tpu.memref_slice %arg7[%rem3A_128] : memref<4x!tpu.dma_semaphore, #tpu.memory_space<semaphore_mem>> -> memref<1x!tpu.dma_semaphore, #tpu.memory_space<semaphore_mem>>
    %dma_wait3A_133 = tpu.memref_squeeze %dma_wait3A_132 : memref<1x!tpu.dma_semaphore, #tpu.memory_space<semaphore_mem>> -> memref<!tpu.dma_semaphore, #tpu.memory_space<semaphore_mem>>
    %dma_wait3A_134 = arith.constant 0 : i32
    %dma_wait3A_135 = tpu.memref_slice %arg3[%mul3A_131, %dma_wait3A_134] : memref<100000x128xf32, #tpu.memory_space<hbm>> -> memref<2048x128xf32, #tpu.memory_space<hbm>>
    %dma_wait3A_136 = arith.constant 0 : i32
    %dma_wait3A_137 = arith.constant 0 : i32
    %dma_wait3A_138 = tpu.memref_slice %arg5[%rem3A_128, %dma_wait3A_136, %dma_wait3A_137] : memref<4x2048x128xf32, #tpu.memory_space<vmem>> -> memref<1x2048x128xf32, #tpu.memory_space<vmem>>
    %dma_wait3A_139 = tpu.memref_squeeze %dma_wait3A_138 : memref<1x2048x128xf32, #tpu.memory_space<vmem>> -> memref<2048x128xf32, #tpu.memory_space<vmem>>
    tpu.wait_dma2 semaphore(%dma_wait3A_133 : memref<!tpu.dma_semaphore, #tpu.memory_space<semaphore_mem>>) src(%dma_wait3A_139 : memref<2048x128xf32, #tpu.memory_space<vmem>>) dst(%dma_wait3A_135 : memref<2048x128xf32, #tpu.memory_space<hbm>>)
    %rem3A_140 = arith.constant 48 : i32
    %rem3A_141 = arith.constant 4 : i32
    %rem3A_142 = arith.remsi %rem3A_140, %rem3A_141 : i32
    %mul3A_143 = arith.constant 48 : i32
    %mul3A_144 = arith.constant 2048 : i32
    %mul3A_145 = arith.muli %mul3A_143, %mul3A_144 : i32
    %dma_wait3A_146 = tpu.memref_slice %arg7[%rem3A_142] : memref<4x!tpu.dma_semaphore, #tpu.memory_space<semaphore_mem>> -> memref<1x!tpu.dma_semaphore, #tpu.memory_space<semaphore_mem>>
    %dma_wait3A_147 = tpu.memref_squeeze %dma_wait3A_146 : memref<1x!tpu.dma_semaphore, #tpu.memory_space<semaphore_mem>> -> memref<!tpu.dma_semaphore, #tpu.memory_space<semaphore_mem>>
    %dma_wait3A_148 = arith.constant 0 : i32
    %dma_wait3A_149 = tpu.memref_slice %arg3[%mul3A_145, %dma_wait3A_148] : memref<100000x128xf32, #tpu.memory_space<hbm>> -> memref<1696x128xf32, #tpu.memory_space<hbm>>
    %dma_wait3A_150 = arith.constant 0 : i32
    %dma_wait3A_151 = arith.constant 0 : i32
    %dma_wait3A_152 = tpu.memref_slice %arg5[%rem3A_142, %dma_wait3A_150, %dma_wait3A_151] : memref<4x2048x128xf32, #tpu.memory_space<vmem>> -> memref<1x1696x128xf32, #tpu.memory_space<vmem>>
    %dma_wait3A_153 = tpu.memref_squeeze %dma_wait3A_152 : memref<1x1696x128xf32, #tpu.memory_space<vmem>> -> memref<1696x128xf32, #tpu.memory_space<vmem>>
    tpu.wait_dma2 semaphore(%dma_wait3A_147 : memref<!tpu.dma_semaphore, #tpu.memory_space<semaphore_mem>>) src(%dma_wait3A_153 : memref<1696x128xf32, #tpu.memory_space<vmem>>) dst(%dma_wait3A_149 : memref<1696x128xf32, #tpu.memory_space<hbm>>)
    return
  }
}

</mosaic_0001>

<sc_bundles>
// kernel: kernel.5.cloned.1.call-start
scs
__scs_entry_jumppad:
0x0: {  	(pc) =	sbr.rel $0x88, $3  }
0x1: {  	(tag) =	ssettag $0x0;
	lr =	simm.s32 $0x1  }
0x2: {  	[smem:$0x3F97] =	sst lr;
	_ =	strace $0xD0000000  }
0x3: {  	_ = 	snop  }
0x4: {  	_ = 	snop  }
0x5: {  	_ = 	snop  }
0x6: {  	_ = 	snop  }
0x7: {  	_ = 	snop  }
__scs_overlays_trampoline_lowered:
0x8: {  	[smem:$0x3FA6] =	sst s0  }
0x9: {  	[smem:$0x3FA7] =	sst s1  }
0xa: {  	[smem:$0x3FA8] =	sst s2  }
0xb: {  	[smem:$0x3FA9] =	sst s3  }
0xc: {  	[smem:$0x3FAA] =	sst s4  }
0xd: {  	[smem:$0x3FAB] =	sst s5  }
0xe: {  	[smem:$0x3FAC] =	sst s6  }
0xf: {  	[smem:$0x3FAD] =	sst s7  }
0x10: {  	[smem:$0x3FAE] =	sst s8  }
0x11: {  	[smem:$0x3FAF] =	sst s9;
	s0 =	simm.s32 @!p0 $0x0  }
0x12: {  	s1 =	sld [smem:$0x3F95];
	s0 =	simm.s32 @p0 $0x1  }
0x13: {  	[smem:$0x3FB0] =	sst s0;
	s0 =	simm.s32 @!p1 $0x0  }
0x14: {  	s2 =	sld [smem:$0x3F94];
	s0 =	simm.s32 @p1 $0x1  }
0x15: {  	[smem:$0x3FB1] =	sst s0;
	s0 =	simm.s32 @!p2 $0x0  }
0x16: {  	s3 =	sld [smem:$0x3FDB];
	s0 =	simm.s32 @p2 $0x1  }
0x17: {  	s4 =	simm.s32 $0x1BF5;
	[smem:$0x3FB3] =	sst s0  }
0x18: {  	s0 =	sld [smem:$0x3F96];
	_ =	swait.ge [sflag:s4], $0x0  }
0x19: {  	s7 =	sld [smem:$0x3F97]  }
0x1a: {  	s8 =	sadd.s32 $0xFFFFE003, lr  }
0x1b: {  	s9 =	sadd.s32 $0xFFFFFEF7, lr;
	s5 =	simm.s32 $0xFFFFFFFF;
	p2 =	slt.u32 s8, $0xFFFFF086  }
0x1c: {  	p1 =	slt.u32 s9, $0xF7A;
	s5 =	simm.s32 @!p2 $0x0  }
0x1d: {  	s5 =	simm.s32 @p1 $0x1;
	p0 =	seq.s32 s7, s2  }
0x1e: {  	s7 =	smul.u32 @!p0 $0xF7A, s2;
	p2 =	seq.s32 @!p0 s5, $0x0  }
0x1f: {  	s9 =	smul.u32 $0xF7A, s1;
	s8 =	simm.s32 @!p0 $0x1BF5;
	p2 =	por !p2, p0  }
0x20: {  	[sflag:s8] =	ssyncset.s32 @!p0 $0xFFFFF086;
	s6 =	sadd.s32 @!p0 s3, s7;
	s7 =	simm.s32 @!p0 $0x108  }
0x21: {  	s3 =	sadd.s32 s3, s9;
	s6 =	sadd.s32 @!p0 $0x88, s6;
	s7 =	simm.s32 @p2 $0x1082  }
0x22: {  	[simem:s7], [sflag:s8] =	dma.local @!p0 [hbm:s6], $0xF7A  }
0x23: {  	s9 =	sor.u32 $0xD0000000, s2;
	s6 =	simm.s32 $0x108;
	_ =	swait.ge @!p0 [sflag:s8], $0x0  }
0x24: {  	s3 =	sadd.s32 $0x88, s3;
	s6 =	simm.s32 @!p1 $0x1082;
	[sflag:s4] =	ssyncset.s32 $0xFFFFF086  }
0x25: {  	[simem:s6], [sflag:s4] =	dma.local [hbm:s3], $0xF7A  }
0x26: {  	[smem:$0x3F97] =	sst s1;
	(tag) =	ssettag s2;
	_ =	strace s9  }
0x27: {  	s1 =	sld [smem:$0x3FA7]  }
0x28: {  	s2 =	sld [smem:$0x3FA8]  }
0x29: {  	s4 =	sld [smem:$0x3FAA]  }
0x2a: {  	p0 =	seq.s32 s5, $0x0;
	s5 =	sld [smem:$0x3FAB]  }
0x2b: {  	s6 =	sld [smem:$0x3FAC]  }
0x2c: {  	s7 =	sld [smem:$0x3FAD]  }
0x2d: {  	s3 =	simm.s32 $0x108;
	s8 =	sld [smem:$0x3FAE]  }
0x2e: {  	s3 =	simm.s32 @!p0 $0x1082;
	s9 =	sld [smem:$0x3FAF]  }
0x2f: {  	lr =	sadd.s32 s0, s3;
	s0 =	sld [smem:$0x3FA6]  }
0x30: {  	s3 =	sld [smem:$0x3FA9]  }
0x31: {  	[smem:$0x3FB2] =	sst s10  }
0x32: {  	s10 =	sld [smem:$0x3FB0];
	_ =	sdelay $0x3  }
0x33: {  	p0 =	seq.s32 s10, $0x1;
	s10 =	sld [smem:$0x3FB2];
	_ =	sdelay $0x3  }
0x34: {  	[smem:$0x3FB2] =	sst s10  }
0x35: {  	s10 =	sld [smem:$0x3FB1];
	_ =	sdelay $0x3  }
0x36: {  	p1 =	seq.s32 s10, $0x1;
	s10 =	sld [smem:$0x3FB2];
	_ =	sdelay $0x3  }
0x37: {  	[smem:$0x3FB2] =	sst s10  }
0x38: {  	s10 =	sld [smem:$0x3FB3]  }
0x39: {  	_ = 	snop;
	(pc) =	sbr.ind lr, $3  }
0x3a: {  	_ = 	snop  }
0x3b: {  	_ = 	snop  }
0x3c: {  	p2 =	seq.s32 s10, $0x1;
	s10 =	sld [smem:$0x3FB2]  }
0x3d: {  	_ =	shalt  }
0x3e: {  	_ =	shalt  }
0x3f: {  	_ =	shalt  }
0x40: {  	_ =	shalt  }
0x41: {  	_ =	shalt  }
0x42: {  	_ =	shalt  }
0x43: {  	_ =	shalt  }
0x44: {  	_ =	shalt  }
0x45: {  	_ =	shalt  }
0x46: {  	_ =	shalt  }
0x47: {  	_ =	shalt  }
0x48: {  	_ =	shalt  }
0x49: {  	_ =	shalt  }
0x4a: {  	_ =	shalt  }
0x4b: {  	_ =	shalt  }
0x4c: {  	_ =	shalt  }
0x4d: {  	_ =	shalt  }
0x4e: {  	_ =	shalt  }
0x4f: {  	_ =	shalt  }
0x50: {  	_ =	shalt  }
0x51: {  	_ =	shalt  }
0x52: {  	_ =	shalt  }
0x53: {  	_ =	shalt  }
0x54: {  	_ =	shalt  }
0x55: {  	_ =	shalt  }
0x56: {  	_ =	shalt  }
0x57: {  	_ =	shalt  }
0x58: {  	_ =	shalt  }
0x59: {  	_ =	shalt  }
0x5a: {  	_ =	shalt  }
0x5b: {  	_ =	shalt  }
0x5c: {  	_ =	shalt  }
0x5d: {  	_ =	shalt  }
0x5e: {  	_ =	shalt  }
0x5f: {  	_ =	shalt  }
0x60: {  	_ =	shalt  }
0x61: {  	_ =	shalt  }
0x62: {  	_ =	shalt  }
0x63: {  	_ =	shalt  }
0x64: {  	_ =	shalt  }
0x65: {  	_ =	shalt  }
0x66: {  	_ =	shalt  }
0x67: {  	_ =	shalt  }
0x68: {  	_ =	shalt  }
0x69: {  	_ =	shalt  }
0x6a: {  	_ =	shalt  }
0x6b: {  	_ =	shalt  }
0x6c: {  	_ =	shalt  }
0x6d: {  	_ =	shalt  }
0x6e: {  	_ =	shalt  }
0x6f: {  	_ =	shalt  }
0x70: {  	_ =	shalt  }
0x71: {  	_ =	shalt  }
0x72: {  	_ =	shalt  }
0x73: {  	_ =	shalt  }
0x74: {  	_ =	shalt  }
0x75: {  	_ =	shalt  }
0x76: {  	_ =	shalt  }
0x77: {  	_ =	shalt  }
0x78: {  	_ =	shalt  }
0x79: {  	_ =	shalt  }
0x7a: {  	_ =	shalt  }
0x7b: {  	_ =	shalt  }
0x7c: {  	_ =	shalt  }
0x7d: {  	_ =	shalt  }
0x7e: {  	_ =	shalt  }
0x7f: {  	_ =	shalt  }
0x80: {  	_ =	shalt  }
0x81: {  	_ =	shalt  }
0x82: {  	_ =	shalt  }
0x83: {  	_ =	shalt  }
0x84: {  	_ =	shalt  }
0x85: {  	_ =	shalt  }
0x86: {  	_ =	shalt  }
0x87: {  	_ =	shalt  }
.Lfunc_end0:
.L_simem_size_0:
called_computation_lowered:
.L_overlay_start_0:
0x88: {  	s2 =	sld [smem:$0x3FD9]  }
0x89: {  	s3 =	sld [smem:$0x3FFE];
	_ =	sdelay $0x1  }
0x8a: {  	s1 =	srdreg.scid  }
0x8b: {  	s0 =	sand.u32 $0x1, s1  }
0x8c: {  	s15 =	sshll.u32 s0, $0xA;
	s2 =	sadd.s32 s3, s2  }
0x8d: {  	s2 =	sadd.s32 s2, s15  }
0x8e: {  	[smem:$0x3FBE] =	sst s2  }
0x8f: {  	_ = 	snop  }
0x90: {  	s2 =	sld [smem:$0x3FD0];
	_ =	sdelay $0x1  }
0x91: {  	s16 =	sld [smem:$0x3FC9]  }
0x92: {  	s5 =	simm.s32 $0xA;
	s6 =	simm.s32 $0x10;
	s4 =	sld [smem:$0x3FC6]  }
0x93: {  	[smem:s6], [sflag:s5] =	dma.local [hbm:s2], $0x1  }
0x94: {  	_ =	swait.eq [sflag:s5], $0x1  }
0x95: {  	[sflag:s5] =	ssyncset.done $0x0  }
0x96: {  	[sflag:s5] =	ssyncadd.s32 $0xFFFFFFFF  }
0x97: {  	s17 =	sld [smem:$0x12];
	(tm) =	ssettm $0x1  }
0x98: {  	s18 =	sld [smem:$0x3FFB];
	_ =	sdelay $0x3  }
0x99: {  	_ =	strace s18  }
0x9a: {  	s5 =	sld [smem:$0x3FFC];
	_ =	sdelay $0x3  }
0x9b: {  	_ =	strace s5  }
0x9c: {  	s5 =	sld [smem:$0x3FFD];
	_ =	sdelay $0x3  }
0x9d: {  	_ =	strace s5  }
0x9e: {  	_ =	strace $0x8FFFFFFF  }
0x9f: {  	s19 =	sld [smem:$0x3FDB];
	_ =	sdelay $0x1  }
0xa0: {  	s20 =	simm.s32 $_scs_section_size  }
0xa1: {  	s7 =	simm.s32 $_size__tile_overlayer_lowered;
	s8 =	simm.s32 $_tile_overlayer_lowered  }
0xa2: {  	s23 =	simm.s32 $0x1BFF;
	s22 =	sshll.u32 s8, $0x1;
	s5 =	sadd.s32 s20, s19  }
0xa3: {  	s9 =	simm.s32 $0x0;
	s21 =	sshll.u32 s7, $0x1;
	s7 =	sadd.s32 s22, s5  }
0xa4: {  	[timem:s9], [sflag:s23] =	dma.local [hbm:s7], s21  }
0xa5: {  	_ =	swait.ge [sflag:s23], s21  }
0xa6: {  	s6 =	ssub.s32 $0x0, s21;
	[sflag:s23] =	ssyncset.done $0x0  }
0xa7: {  	[sflag:s23] =	ssyncadd.s32 s6;
	_ =	sdelay $0x1  }
0xa8: {  	s24 =	simm.s32 $0x1B8B  }
0xa9: {  	_ =	swait.ge [sflag:s24], $0x1  }
0xaa: {  	[sflag:s24] =	ssyncset.done $0x0  }
0xab: {  	s25 =	simm.s32 $0x1B8E;
	[sflag:s24] =	ssyncadd.s32 $0xFFFFFFFF  }
0xac: {  	s26 =	simm.s32 $execute0_lowered;
	[smem:$0x3FD2] =	sst s25  }
0xad: {  	s6 =	sshll.u32 s26, $0x1;
	_ =	strace $0x80000046;
	[dreg:$0x1] =	wrdreg $0xFFFFFFFF  }
0xae: {  	s28 =	simm.s32 $_size_execute0_lowered;
	s5 =	sadd.s32 s5, s6;
	[dreg:$0x0] =	wrdreg $0x0  }
0xaf: {  	s6 =	sshll.u32 s28, $0x1;
	[dreg:$0x2] =	wrdreg s5  }
0xb0: {  	[dreg:$0x3] =	wrdreg s6  }
0xb1: {  	[dreg:$0x4] =	wrdreg $0xC0  }
0xb2: {  	_ =	task [dreg:s9], $0x5FFFF  }
0xb3: {  	[dreg:$0x1] =	wrdreg $0xFFFFFFFF  }
0xb4: {  	[dreg:$0x0] =	wrdreg $0x60  }
0xb5: {  	[dreg:$0x2] =	wrdreg s16  }
0xb6: {  	[dreg:$0x3] =	wrdreg s4  }
0xb7: {  	[dreg:$0x4] =	wrdreg s17  }
0xb8: {  	[dreg:$0x5] =	wrdreg $0x9  }
0xb9: {  	_ =	task.clear_ibuf [dreg:s9], $0x6FFFF;
	_ =	strace $0x90000046  }
0xba: {  	s29 =	simm.s32 $0x9;
	_ =	strace $0x80000048  }
0xbb: {  	_ =	swait.ge [sflag:s29], $0x1  }
0xbc: {  	[sflag:s29] =	ssyncadd.s32 $0xFFFFFFFF  }
0xbd: {  	_ =	strace $0x90000048  }
0xbe: {  	_ =	sfence  }
0xbf: {  	s30 =	sld [smem:$0x0];
	_ =	sdelay $0x2  }
0xc0: {  	s31 =	sshll.u32 s1, $0xD;
	s1 =	sshrl.u32 s1, $0x2  }
0xc1: {  	s3 =	sand.u32 $0x4000, s31;
	s1 =	sadd.s32 s1, s30  }
0xc2: {  	s0 =	sor.u32 s3, s0;
	s1 =	sshll.u32 s1, $0x11  }
0xc3: {  	s0 =	sor.u32 s1, s0  }
0xc4: {  	s0 =	sadd.s32 $0x8F2B, s0  }
0xc5: {  	[sflag:s0] =	ssyncadd.remote.s32 $0x1  }
0xc6: {  	_ =	sfence.sel $0xFFFF  }
0xc7: {  	[dreg:$0x0] =	wrdreg $0xFFFFFFFF;
	(pc) =	sbr.abs _section_cstart, $3  }
0xc8: {  	[dreg:$0x1] =	wrdreg $0xFFFFFFFF  }
0xc9: {  	_ =	task.clear_ibuf [dreg:s9], $0x2FFFF;
	_ =	strace $0x9FFFFFFF  }
0xca: {  	(tm) =	ssettm $0x7FFFFFFF  }
0xcb: {  	_ =	shalt  }
tec
execute0_lowered:
.L_overlay_start_1:
0x0: {  	(tag) =	ssettag $0x1  }
0x1: {  	s1 =	stileid.u32  }
0x2: {  	p0 =	sgt.u32 s1, $0x7  }
.Ltmp0:
0x3: {  	s4 =	rddreg [dreg:$0x0];
	(pc) =	sbr.rel @p0 .LBB2_4-.Ltmp0, $4  }
0x4: {  	s2 =	rddreg [dreg:$0x1]  }
0x5: {  	s14 =	rddreg [dreg:$0x2];
	s3 =	simm.s32 $0x0  }
0x6: {  	[smem:$0x7FF] =	sst s3  }
0x7: {  	s0 =	rddreg [dreg:$0x3];
	_ =	strace $0x80000047  }
0x8: {  	s5 =	srdreg.scid  }
0x9: {  	s30 =	sshll.u32 s1, $0x1;
	s12 =	sand.u32 $0x1, s5  }
0xa: {  	s15 =	sor.u32 s12, s30  }
0xb: {  	s5 =	sadd.s32 s4, s15;
	s4 =	simm.s32 $0x2  }
0xc: {  	[tilespmem:s3], [sflag:$0x2] =	stream.linear.gather [hbm4b:s5+s3], $0x8, $0x38;
	[tilespmem:$0x2080] =	vst v63  }
0xd: {  	_ =	swait.ge [sflag:s4], $0x8  }
0xe: {  	[sflag:s4] =	ssyncset.done $0x0  }
0xf: {  	[sflag:s4] =	ssyncadd.s32 $0xFFFFFFF8  }
0x10: {  	v0 =	vld.msk [tilespmem:$0x0], $0xff;
	_ =	sdelay $0x4  }
0x11: {  	v1 =	vshll.u32 v0, $0x3  }
0x12: {  	v2 =	vlaneseq.u32;
	v3 =	vand.u32 $0x7, v0;
	v1 =	vand.u32 $0xFFFFFFC0, v1  }
0x13: {  	v0 =	vand.u32 $0x7, v2;
	v2 =	vshrl.u32 v2, $0x3;
	v3 =	vor.u32 v3, v1  }
0x14: {  	v1 =	vmul.u32 $0x8, v2;
	v2 =	vperm.xlane v3, v0;
	_ =	sdelay $0x1  }
0x15: {  	v2 =	vadd.s32 v1, v2;
	_ =	sdelay $0x3  }
0x16: {  	vm0 =	vmmov $0xffff;
	s6 =	simm.s32 $0x80;
	s7 =	sadd.s32 $0x100, s2;
	s16 =	ssub.s32 $0x2, s12  }
0x17: {  	[tilespmem:s6], [sflag:$0x1] =	stream.indirect_vreg.gather [hbm4b:s2+s3], $0x80, v2, vm0, $0xb8;
	[tilespmem:$0x2080] =	vst v63  }
0x18: {  	s8 =	simm.s32 $0x880;
	s9 =	sadd.s32 $0x200, s2;
	s17 =	sshrl.u32 s16, $0x1  }
0x19: {  	[tilespmem:s8], [sflag:$0x1] =	stream.indirect_vreg.gather [hbm4b:s7+s3], $0x80, v2, vm0, $0xb8;
	[tilespmem:$0x2080] =	vst v63  }
0x1a: {  	s10 =	sadd.s32 $0x300, s2;
	s11 =	simm.s32 $0x1080;
	s16 =	ssub.s32 s16, s17  }
0x1b: {  	[tilespmem:s11], [sflag:$0x1] =	stream.indirect_vreg.gather [hbm4b:s9+s3], $0x80, v2, vm0, $0xb8;
	[tilespmem:$0x2080] =	vst v63  }
0x1c: {  	s13 =	simm.s32 $0x1;
	s12 =	simm.s32 $0x1880;
	s31 =	smax.u32 s16, $0x1  }
0x1d: {  	[tilespmem:s12], [sflag:$0x1] =	stream.indirect_vreg.gather [hbm4b:s10+s3], $0x80, v2, vm0, $0xb8;
	[tilespmem:$0x2080] =	vst v63  }
0x1e: {  	p0 =	sne.s32 s31, $0x1;
	_ =	swait.ge [sflag:s13], $0x2000  }
.Ltmp1:
0x1f: {  	s15 =	sshll.u32 s15, $0xA;
	[sflag:s13] =	ssyncset.done $0x0;
	(pc) =	sbr.rel @!p0 .LBB2_3-.Ltmp1, $4  }
0x20: {  	s14 =	sadd.s32 s14, s15;
	[sflag:s13] =	ssyncadd.s32 $0xFFFFE000  }
0x21: {  	[hbm4b:s14+s3] =	stream.linear.scatter [tilespmem:s6], [sflag:$0x2], $0x2000, $0x38;
	[tilespmem:$0x2080] =	vst v63  }
0x22: {  	_ =	swait.ge [sflag:s4], $0x2000  }
0x23: {  	s15 =	sadd.s32 $0xFFFFFFFF, s31;
	[sflag:s4] =	ssyncset.done $0x0  }
.LBB2_2:
0x24: {  	p0 =	sne.s32 s15, $0x1;
	s15 =	sadd.s32 $0xFFFFFFFF, s15;
	[sflag:s4] =	ssyncadd.s32 $0xFFFFE000  }
0x25: {  	[tilespmem:s3], [sflag:$0x2] =	stream.linear.gather [hbm4b:s5+s3], $0x8, $0x38;
	[tilespmem:$0x2080] =	vst v63  }
0x26: {  	_ =	swait.ge [sflag:s4], $0x8  }
0x27: {  	[sflag:s4] =	ssyncset.done $0x0  }
0x28: {  	[sflag:s4] =	ssyncadd.s32 $0xFFFFFFF8  }
0x29: {  	v2 =	vld.msk [tilespmem:$0x0], $0xff;
	_ =	sdelay $0x4  }
0x2a: {  	v3 =	vshll.u32 v2, $0x3  }
0x2b: {  	v2 =	vand.u32 $0x7, v2;
	v3 =	vand.u32 $0xFFFFFFC0, v3  }
0x2c: {  	v2 =	vor.u32 v2, v3  }
0x2d: {  	v2 =	vperm.xlane v2, v0;
	_ =	sdelay $0x1  }
0x2e: {  	v2 =	vadd.s32 v1, v2;
	_ =	sdelay $0x4  }
0x2f: {  	[tilespmem:s6], [sflag:$0x1] =	stream.indirect_vreg.gather [hbm4b:s2+s3], $0x80, v2, vm0, $0xb8;
	[tilespmem:$0x2080] =	vst v63  }
0x30: {  	_ = 	snop  }
0x31: {  	[tilespmem:s8], [sflag:$0x1] =	stream.indirect_vreg.gather [hbm4b:s7+s3], $0x80, v2, vm0, $0xb8;
	[tilespmem:$0x2080] =	vst v63  }
0x32: {  	_ = 	snop  }
0x33: {  	[tilespmem:s11], [sflag:$0x1] =	stream.indirect_vreg.gather [hbm4b:s9+s3], $0x80, v2, vm0, $0xb8;
	[tilespmem:$0x2080] =	vst v63  }
0x34: {  	_ = 	snop  }
0x35: {  	[tilespmem:s12], [sflag:$0x1] =	stream.indirect_vreg.gather [hbm4b:s10+s3], $0x80, v2, vm0, $0xb8;
	[tilespmem:$0x2080] =	vst v63  }
0x36: {  	_ =	swait.ge [sflag:s13], $0x2000  }
.Ltmp2:
0x37: {  	[sflag:s13] =	ssyncset.done $0x0;
	(pc) =	sbr.rel @p0 .LBB2_2-.Ltmp2, $4  }
0x38: {  	[sflag:s13] =	ssyncadd.s32 $0xFFFFE000  }
0x39: {  	[hbm4b:s14+s3] =	stream.linear.scatter [tilespmem:s6], [sflag:$0x2], $0x2000, $0x38;
	[tilespmem:$0x2080] =	vst v63  }
0x3a: {  	_ =	swait.ge [sflag:s4], $0x2000  }
0x3b: {  	[sflag:s4] =	ssyncset.done $0x0  }
.LBB2_3:
0x3c: {  	[sflag:s4] =	ssyncadd.s32 $0xFFFFE000  }
.LBB2_4:
0x3d: {  	_ =	sfence.sel $0x180000  }
0x3e: {  	[bflag:$0x0] =	sbarrier.arrive $0xFFFF  }
0x3f: {  	p0 =	sne.s32 s1, $0x0;
	_ =	strace $0x90000047  }
0x40: {  	s0 =	sadd.s32 @!p0 $0x100000, s0;
	[bflag:$0x2] =	sbarrier.arrive $0xFFFF  }
0x41: {  	[sflag:s0] =	ssyncadd.tile.s32 @!p0 $0x1;
	_ =	shalt  }
.Lfunc_end2:
_tile_overlayer_lowered:
.L_overlay_start_2:
0x42: {  	(tag) =	ssettag $0x2  }
0x43: {  	s0 =	rddreg [dreg:$0x0];
	s2 =	stileid.u32  }
0x44: {  	s1 =	rddreg [dreg:$0x1];
	p0 =	sne.s32 s2, $0x0  }
0x45: {  	s3 =	rddreg [dreg:$0x2];
	[bflag:$0x3] =	sbarrier.arrive $0xFFFF;
	s2 =	simm.s32 @!p0 $0x1C02  }
0x46: {  	[timem:s3], [sflag:s2] =	dma.local @!p0 [hbm:s0], s1  }
0x47: {  	s0 =	simm.s32 @!p0 $0x2  }
0x48: {  	_ =	swait.ge @!p0 [sflag:s0], s1  }
0x49: {  	s1 =	ssub.s32 @!p0 $0x0, s1;
	[sflag:s0] =	ssyncset.done @!p0 $0x0  }
0x4a: {  	[sflag:s0] =	ssyncadd.s32 @!p0 s1  }
0x4b: {  	[bflag:$0x3] =	sbarrier.arrive $0xFFFF  }
0x4c: {  	_ =	shalt  }

</sc_bundles>
